<compile_context>
chip_gen: v7x
topology: tpu7x:2x2x1
jax: 0.10.2.dev20260603
libtpu: 0.0.44.dev20260713+nightly
codegen_flags: <defaults>
</compile_context>

<pallas_src>
import functools
import jax
import jax.numpy as jnp
from jax import lax
from jax.experimental import pallas as pl
from jax.experimental.pallas import tpu as pltpu
from jax.experimental.pallas import tpu_sc as plsc

NUM_C = 150
HBINS = 22528
STRIP = HBINS // 16
N_IMG, N_ROW, N_COL = 16, 512, 512
SLAB = 32
CHUNK = SLAB * N_COL
NCHUNK = (N_ROW // 2) // SLAB

_mesh = plsc.VectorSubcoreMesh(core_axis_name="c", subcore_axis_name="s")


@functools.partial(
    pl.kernel,
    mesh=_mesh,
    compiler_params=pltpu.CompilerParams(needs_layout_passes=False),
    out_type=jax.ShapeDtypeStruct((2, HBINS), jnp.float32),
    scratch_types=[
        pltpu.VMEM((SLAB, N_COL), jnp.int32),
        pltpu.VMEM((SLAB, N_COL), jnp.int32),
        pltpu.VMEM((SLAB, N_COL), jnp.int32),
        pltpu.VMEM((SLAB, N_COL), jnp.int32),
        pltpu.VMEM((HBINS,), jnp.float32),
        pltpu.VMEM((STRIP,), jnp.float32),
        pltpu.VMEM((STRIP,), jnp.float32),
        pltpu.VMEM((STRIP,), jnp.float32),
        pltpu.VMEM((STRIP,), jnp.float32),
        pltpu.VMEM_SHARED((16, HBINS), jnp.float32),
        pltpu.SemaphoreType.DMA,
        pltpu.SemaphoreType.DMA,
        pltpu.SemaphoreType.DMA,
        pltpu.SemaphoreType.DMA,
    ],
)
def _conf_hist(pred_hbm, tgt_hbm, zeros_hbm, out_hbm,
               pred0_v, tgt0_v, pred1_v, tgt1_v, hist_v,
               strip0_v, strip1_v, strip2_v, strip3_v,
               shared, sp0, st0, sp1, st1):
    cid = lax.axis_index("c")
    sid = lax.axis_index("s")
    wid = sid * 2 + cid
    img = wid // 2
    row0 = (wid % 2) * (N_ROW // 2)

    bufs = ((pred0_v, tgt0_v, sp0, st0), (pred1_v, tgt1_v, sp1, st1))

    def start(r0, b):
        pbuf, tbuf, sp, st = bufs[b]
        pltpu.async_copy(pred_hbm.at[img, pl.ds(r0, SLAB), :], pbuf, sp)
        pltpu.async_copy(tgt_hbm.at[img, pl.ds(r0, SLAB), :], tbuf, st)

    def wait(b):
        pbuf, tbuf, sp, st = bufs[b]
        pltpu.make_async_copy(pred_hbm.at[0, pl.ds(0, SLAB), :], pbuf, sp).wait()
        pltpu.make_async_copy(tgt_hbm.at[0, pl.ds(0, SLAB), :], tbuf, st).wait()

    ones = jnp.ones((16,), jnp.float32)

    def compute(b):
        pbuf, tbuf, _, _ = bufs[b]

        @plsc.parallel_loop(0, CHUNK // 16, unroll=8)
        def _(j):
            r = lax.shift_right_logical(j, 5)
            c = lax.bitwise_and(j, 31) * 16
            p = pbuf[r, pl.ds(c, 16)]
            t = tbuf[r, pl.ds(c, 16)]
            idx = t * NUM_C + p
            plsc.addupdate_scatter(hist_v, [idx], ones)

    start(row0, 0)
    pltpu.sync_copy(zeros_hbm, hist_v)

    def chunk_body(i, _):
        c0 = 2 * i
        start(row0 + (c0 + 1) * SLAB, 1)
        wait(0)
        compute(0)
        nxt = c0 + 2
        rn = jnp.where(nxt < NCHUNK, row0 + nxt * SLAB, 0)
        start(rn, 0)
        wait(1)
        compute(1)
        return 0

    lax.fori_loop(0, NCHUNK // 2, chunk_body, 0)
    wait(0)

    pltpu.sync_copy(hist_v, shared.at[sid])
    plsc.subcore_barrier()

    col = sid * STRIP
    sbufs = ((strip0_v, sp0), (strip1_v, st0), (strip2_v, sp1),
             (strip3_v, st1))

    def strip_start(k, b):
        buf, sem = sbufs[b]
        pltpu.async_copy(shared.at[k, pl.ds(col, STRIP)], buf, sem)

    def strip_wait(b):
        buf, sem = sbufs[b]
        pltpu.make_async_copy(shared.at[0, pl.ds(col, STRIP)], buf, sem).wait()

    for k in range(4):
        strip_start(k, k)
    for k in range(16):
        b = k & 3
        buf, _ = sbufs[b]
        strip_wait(b)
        if k == 0:
            @plsc.parallel_loop(0, STRIP // 16, unroll=8)
            def _(m, _buf=buf):
                s = pl.ds(col + m * 16, 16)
                hist_v[s] = _buf[pl.ds(m * 16, 16)]
        else:
            @plsc.parallel_loop(0, STRIP // 16, unroll=8)
            def _(m, _buf=buf):
                s = pl.ds(col + m * 16, 16)
                hist_v[s] = hist_v[s] + _buf[pl.ds(m * 16, 16)]
        if k + 4 < 16:
            strip_start(k + 4, b)

    pltpu.sync_copy(hist_v.at[pl.ds(col, STRIP)],
                    out_hbm.at[cid, pl.ds(col, STRIP)])


def kernel(input, target):
    pred = input.astype(jnp.int32)
    tgt = target.astype(jnp.int32)
    zeros = jnp.zeros((HBINS,), jnp.float32)
    parts = _conf_hist(pred, tgt, zeros)
    return (parts[0] + parts[1])[: NUM_C * NUM_C].reshape(NUM_C, NUM_C)

# --- scband reference (transcript-rebuilt; emitter-appended) ---
"""Pipeline reference for scband-confusion-metrics-9586367005106 (READ-ONLY COPY).

The authoritative reference and input builder live on the scoring server;
editing this copy changes nothing except your own understanding.
"""

import jax, jax.numpy as jnp
import numpy as np

NUM_CLASSES = 150


def setup_inputs(seed: int = 0) -> dict:
    key = jax.random.key(seed)
    k1, k2 = jax.random.split(key)
    inp = jax.random.randint(k1, (16, 512, 512), 0, NUM_CLASSES, dtype=jnp.int64)
    tgt = jax.random.randint(k2, (16, 512, 512), 0, NUM_CLASSES, dtype=jnp.int64)
    return {"input": inp, "target": tgt}


def _fast_hist(y_pred, y_true, num_classes):
    # mask out-of-range labels, matching torch: mask = (target >= 0) & (target < C)
    y_pred = y_pred.reshape(-1)
    y_true = y_true.reshape(-1)
    mask = (y_true >= 0) & (y_true < num_classes)
    idx = jnp.where(mask, num_classes * y_true.astype(jnp.int64) + y_pred, 0)
    # bincount with weights=mask so masked-off elements contribute zero
    hist = jnp.bincount(idx, weights=mask.astype(jnp.float32), length=num_classes * num_classes)
    return hist.reshape(num_classes, num_classes)


def reference(input, target):
    num_classes = NUM_CLASSES
    conf_mat = jnp.zeros((num_classes, num_classes), dtype=jnp.float32)
    for i in range(input.shape[0]):
        conf_mat = conf_mat + _fast_hist(input[i], target[i], num_classes)
    return conf_mat

if __name__ == "__main__":
    import jax
    _d = setup_inputs()
    print(jax.jit(kernel)(*tuple(_d.values())))

</pallas_src>

<mosaic_0001>
#map = affine_map<(d0, d1) -> (0, 0, 0)>
#map1 = affine_map<(d0, d1) -> (0)>
#map2 = affine_map<(d0, d1) -> (0, 0)>
module attributes {stable_mosaic.version = 14 : i64} {
  func.func @_conf_hist(%arg0: i32, %arg1: i32, %arg2: memref<16x512x512xi32, #tpu.memory_space<hbm>>, %arg3: memref<16x512x512xi32, #tpu.memory_space<hbm>>, %arg4: memref<22528xf32, #tpu.memory_space<hbm>>, %arg5: memref<2x22528xf32, #tpu.memory_space<hbm>>, %arg6: memref<32x512xi32, #tpu.memory_space<vmem>>, %arg7: memref<32x512xi32, #tpu.memory_space<vmem>>, %arg8: memref<32x512xi32, #tpu.memory_space<vmem>>, %arg9: memref<32x512xi32, #tpu.memory_space<vmem>>, %arg10: memref<22528xf32, #tpu.memory_space<vmem>>, %arg11: memref<1408xf32, #tpu.memory_space<vmem>>, %arg12: memref<1408xf32, #tpu.memory_space<vmem>>, %arg13: memref<1408xf32, #tpu.memory_space<vmem>>, %arg14: memref<1408xf32, #tpu.memory_space<vmem>>, %arg15: memref<16x22528xf32, #tpu.memory_space<vmem_shared>>, %arg16: memref<!tpu.dma_semaphore, #tpu.memory_space<semaphore_mem>>, %arg17: memref<!tpu.dma_semaphore, #tpu.memory_space<semaphore_mem>>, %arg18: memref<!tpu.dma_semaphore, #tpu.memory_space<semaphore_mem>>, %arg19: memref<!tpu.dma_semaphore, #tpu.memory_space<semaphore_mem>>) attributes {dimension_semantics = [#tpu.dimension_semantics<core_parallel>, #tpu.dimension_semantics<subcore_parallel>], iteration_bounds = array<i64: 2, 16>, scalar_prefetch = 0 : i64, scratch_operands = 14 : i64, tpu.core_type = #tpu.core_type<sc_vector_subcore>, window_params = [{transform_indices = #map}, {transform_indices = #map}, {transform_indices = #map1}, {transform_indices = #map2}]} {
    %mul3A = arith.constant 2 : i32
    %mul3A_0 = arith.muli %arg1, %mul3A : i32
    %add3A = arith.addi %mul3A_0, %arg0 : i32
    %jit3A = arith.constant 2 : i32
    %div3A = arith.divsi %add3A, %jit3A : i32
    %sign3A = arith.constant 0 : i32
    %sign3A_1 = arith.cmpi sgt, %add3A, %sign3A : i32
    %sign3A_2 = arith.extui %sign3A_1 : i1 to i32
    %sign3A_3 = arith.constant 0 : i32
    %sign3A_4 = arith.cmpi slt, %add3A, %sign3A_3 : i32
    %sign3A_5 = arith.extui %sign3A_4 : i1 to i32
    %sign3A_6 = arith.subi %sign3A_2, %sign3A_5 : i32
    %sign3A_7 = arith.constant 0 : i32
    %sign3A_8 = arith.cmpi sgt, %jit3A, %sign3A_7 : i32
    %sign3A_9 = arith.extui %sign3A_8 : i1 to i32
    %sign3A_10 = arith.constant 0 : i32
    %sign3A_11 = arith.cmpi slt, %jit3A, %sign3A_10 : i32
    %sign3A_12 = arith.extui %sign3A_11 : i1 to i32
    %sign3A_13 = arith.subi %sign3A_9, %sign3A_12 : i32
    %ne3A = arith.cmpi ne, %sign3A_6, %sign3A_13 : i32
    %rem3A = arith.remsi %add3A, %jit3A : i32
    %ne3A_14 = arith.constant 0 : i32
    %ne3A_15 = arith.cmpi ne, %rem3A, %ne3A_14 : i32
    %and3A = arith.andi %ne3A, %ne3A_15 : i1
    %sub3A = arith.constant 1 : i32
    %sub3A_16 = arith.subi %div3A, %sub3A : i32
    %select_n3A = arith.select %and3A, %sub3A_16, %div3A : i32
    %jit3A_17 = arith.constant 2 : i32
    %eq3A = arith.constant 0 : i32
    %eq3A_18 = arith.cmpi eq, %jit3A_17, %eq3A : i32
    %jit3A_19 = arith.constant 1 : i32
    %select_n3A_20 = arith.select %eq3A_18, %jit3A_19, %jit3A_17 : i32
    %rem3A_21 = arith.remsi %add3A, %select_n3A_20 : i32
    %ne3A_22 = arith.constant 0 : i32
    %ne3A_23 = arith.cmpi ne, %rem3A_21, %ne3A_22 : i32
    %lt3A = arith.constant 0 : i32
    %lt3A_24 = arith.cmpi slt, %rem3A_21, %lt3A : i32
    %lt3A_25 = arith.constant 0 : i32
    %lt3A_26 = arith.cmpi slt, %select_n3A_20, %lt3A_25 : i32
    %ne3A_27 = arith.xori %lt3A_24, %lt3A_26 : i1
    %and3A_28 = arith.andi %ne3A_27, %ne3A_23 : i1
    %add3A_29 = arith.addi %rem3A_21, %select_n3A_20 : i32
    %select_n3A_30 = arith.select %and3A_28, %add3A_29, %rem3A_21 : i32
    %mul3A_31 = arith.constant 256 : i32
    %mul3A_32 = arith.muli %select_n3A_30, %mul3A_31 : i32
    %broadcast_in_dim3A = arith.constant 1.000000e+00 : f32
    %broadcast_in_dim3A_33 = vector.broadcast %broadcast_in_dim3A : f32 to vector<16xf32>
    %dma_start3A = arith.constant 0 : i32
    %dma_start3A_34 = tpu.memref_slice %arg2[%select_n3A, %mul3A_32, %dma_start3A] : memref<16x512x512xi32, #tpu.memory_space<hbm>> -> memref<1x32x512xi32, #tpu.memory_space<hbm>>
    %dma_start3A_35 = tpu.memref_squeeze %dma_start3A_34 : memref<1x32x512xi32, #tpu.memory_space<hbm>> -> memref<32x512xi32, #tpu.memory_space<hbm>>
    %dma_start3A_36 = arith.constant 0 : i32
    %dma_start3A_37 = tpu.memref_slice %arg2[%select_n3A, %mul3A_32, %dma_start3A_36] : memref<16x512x512xi32, #tpu.memory_space<hbm>> -> memref<1x32x512xi32, #tpu.memory_space<hbm>>
    %dma_start3A_38 = tpu.memref_squeeze %dma_start3A_37 : memref<1x32x512xi32, #tpu.memory_space<hbm>> -> memref<32x512xi32, #tpu.memory_space<hbm>>
    tpu.enqueue_dma source(%dma_start3A_38 : memref<32x512xi32, #tpu.memory_space<hbm>>) target(%arg6 : memref<32x512xi32, #tpu.memory_space<vmem>>) target_semaphore(%arg16 : memref<!tpu.dma_semaphore, #tpu.memory_space<semaphore_mem>>)
    %dma_start3A_39 = arith.constant 0 : i32
    %dma_start3A_40 = tpu.memref_slice %arg3[%select_n3A, %mul3A_32, %dma_start3A_39] : memref<16x512x512xi32, #tpu.memory_space<hbm>> -> memref<1x32x512xi32, #tpu.memory_space<hbm>>
    %dma_start3A_41 = tpu.memref_squeeze %dma_start3A_40 : memref<1x32x512xi32, #tpu.memory_space<hbm>> -> memref<32x512xi32, #tpu.memory_space<hbm>>
    %dma_start3A_42 = arith.constant 0 : i32
    %dma_start3A_43 = tpu.memref_slice %arg3[%select_n3A, %mul3A_32, %dma_start3A_42] : memref<16x512x512xi32, #tpu.memory_space<hbm>> -> memref<1x32x512xi32, #tpu.memory_space<hbm>>
    %dma_start3A_44 = tpu.memref_squeeze %dma_start3A_43 : memref<1x32x512xi32, #tpu.memory_space<hbm>> -> memref<32x512xi32, #tpu.memory_space<hbm>>
    tpu.enqueue_dma source(%dma_start3A_44 : memref<32x512xi32, #tpu.memory_space<hbm>>) target(%arg7 : memref<32x512xi32, #tpu.memory_space<vmem>>) target_semaphore(%arg17 : memref<!tpu.dma_semaphore, #tpu.memory_space<semaphore_mem>>)
    "tpu.region"() ({
      %run_scoped3A = tpu.sem_alloc : memref<!tpu.dma_semaphore, #tpu.memory_space<semaphore_mem>>
      tpu.enqueue_dma source(%arg4 : memref<22528xf32, #tpu.memory_space<hbm>>) target(%arg10 : memref<22528xf32, #tpu.memory_space<vmem>>) target_semaphore(%run_scoped3A : memref<!tpu.dma_semaphore, #tpu.memory_space<semaphore_mem>>)
      tpu.wait_dma2 semaphore(%run_scoped3A : memref<!tpu.dma_semaphore, #tpu.memory_space<semaphore_mem>>) src(%arg4 : memref<22528xf32, #tpu.memory_space<hbm>>) dst(%arg10 : memref<22528xf32, #tpu.memory_space<vmem>>)
      tpu.yield
    }) : () -> ()
    %scan3A = arith.constant 0 : i32
    %scan3A_45 = arith.constant 0 : i32
    %scan3A_46 = arith.constant 4 : i32
    %scan3A_47 = arith.addi %scan3A_45, %scan3A_46 : i32
    %scan3A_48 = arith.constant 1 : i32
    %scan3A_49 = scf.for %scan3A_277 = %scan3A_45 to %scan3A_47 step %scan3A_48 iter_args(%scan3A_278 = %scan3A) -> (i32)  : i32 {
      %mul3A_279 = arith.constant 2 : i32
      %mul3A_280 = arith.muli %mul3A_279, %scan3A_277 : i32
      %add3A_281 = arith.constant 1 : i32
      %add3A_282 = arith.addi %mul3A_280, %add3A_281 : i32
      %mul3A_283 = arith.constant 32 : i32
      %mul3A_284 = arith.muli %add3A_282, %mul3A_283 : i32
      %add3A_285 = arith.addi %mul3A_32, %mul3A_284 : i32
      %dma_start3A_286 = arith.constant 0 : i32
      %dma_start3A_287 = tpu.memref_slice %arg2[%select_n3A, %add3A_285, %dma_start3A_286] : memref<16x512x512xi32, #tpu.memory_space<hbm>> -> memref<1x32x512xi32, #tpu.memory_space<hbm>>
      %dma_start3A_288 = tpu.memref_squeeze %dma_start3A_287 : memref<1x32x512xi32, #tpu.memory_space<hbm>> -> memref<32x512xi32, #tpu.memory_space<hbm>>
      %dma_start3A_289 = arith.constant 0 : i32
      %dma_start3A_290 = tpu.memref_slice %arg2[%select_n3A, %add3A_285, %dma_start3A_289] : memref<16x512x512xi32, #tpu.memory_space<hbm>> -> memref<1x32x512xi32, #tpu.memory_space<hbm>>
      %dma_start3A_291 = tpu.memref_squeeze %dma_start3A_290 : memref<1x32x512xi32, #tpu.memory_space<hbm>> -> memref<32x512xi32, #tpu.memory_space<hbm>>
      tpu.enqueue_dma source(%dma_start3A_291 : memref<32x512xi32, #tpu.memory_space<hbm>>) target(%arg8 : memref<32x512xi32, #tpu.memory_space<vmem>>) target_semaphore(%arg18 : memref<!tpu.dma_semaphore, #tpu.memory_space<semaphore_mem>>)
      %dma_start3A_292 = arith.constant 0 : i32
      %dma_start3A_293 = tpu.memref_slice %arg3[%select_n3A, %add3A_285, %dma_start3A_292] : memref<16x512x512xi32, #tpu.memory_space<hbm>> -> memref<1x32x512xi32, #tpu.memory_space<hbm>>
      %dma_start3A_294 = tpu.memref_squeeze %dma_start3A_293 : memref<1x32x512xi32, #tpu.memory_space<hbm>> -> memref<32x512xi32, #tpu.memory_space<hbm>>
      %dma_start3A_295 = arith.constant 0 : i32
      %dma_start3A_296 = tpu.memref_slice %arg3[%select_n3A, %add3A_285, %dma_start3A_295] : memref<16x512x512xi32, #tpu.memory_space<hbm>> -> memref<1x32x512xi32, #tpu.memory_space<hbm>>
      %dma_start3A_297 = tpu.memref_squeeze %dma_start3A_296 : memref<1x32x512xi32, #tpu.memory_space<hbm>> -> memref<32x512xi32, #tpu.memory_space<hbm>>
      tpu.enqueue_dma source(%dma_start3A_297 : memref<32x512xi32, #tpu.memory_space<hbm>>) target(%arg9 : memref<32x512xi32, #tpu.memory_space<vmem>>) target_semaphore(%arg19 : memref<!tpu.dma_semaphore, #tpu.memory_space<semaphore_mem>>)
      %dma_wait3A_298 = arith.constant 0 : i32
      %dma_wait3A_299 = arith.constant 0 : i32
      %dma_wait3A_300 = arith.constant 0 : i32
      %dma_wait3A_301 = tpu.memref_slice %arg2[%dma_wait3A_298, %dma_wait3A_299, %dma_wait3A_300] : memref<16x512x512xi32, #tpu.memory_space<hbm>> -> memref<1x32x512xi32, #tpu.memory_space<hbm>>
      %dma_wait3A_302 = tpu.memref_squeeze %dma_wait3A_301 : memref<1x32x512xi32, #tpu.memory_space<hbm>> -> memref<32x512xi32, #tpu.memory_space<hbm>>
      %dma_wait3A_303 = arith.constant 0 : i32
      %dma_wait3A_304 = arith.constant 0 : i32
      %dma_wait3A_305 = tpu.memref_slice %arg2[%dma_wait3A_298, %dma_wait3A_303, %dma_wait3A_304] : memref<16x512x512xi32, #tpu.memory_space<hbm>> -> memref<1x32x512xi32, #tpu.memory_space<hbm>>
      %dma_wait3A_306 = tpu.memref_squeeze %dma_wait3A_305 : memref<1x32x512xi32, #tpu.memory_space<hbm>> -> memref<32x512xi32, #tpu.memory_space<hbm>>
      tpu.wait_dma2 semaphore(%arg16 : memref<!tpu.dma_semaphore, #tpu.memory_space<semaphore_mem>>) src(%dma_wait3A_306 : memref<32x512xi32, #tpu.memory_space<hbm>>) dst(%arg6 : memref<32x512xi32, #tpu.memory_space<vmem>>)
      %dma_wait3A_307 = arith.constant 0 : i32
      %dma_wait3A_308 = arith.constant 0 : i32
      %dma_wait3A_309 = arith.constant 0 : i32
      %dma_wait3A_310 = tpu.memref_slice %arg3[%dma_wait3A_307, %dma_wait3A_308, %dma_wait3A_309] : memref<16x512x512xi32, #tpu.memory_space<hbm>> -> memref<1x32x512xi32, #tpu.memory_space<hbm>>
      %dma_wait3A_311 = tpu.memref_squeeze %dma_wait3A_310 : memref<1x32x512xi32, #tpu.memory_space<hbm>> -> memref<32x512xi32, #tpu.memory_space<hbm>>
      %dma_wait3A_312 = arith.constant 0 : i32
      %dma_wait3A_313 = arith.constant 0 : i32
      %dma_wait3A_314 = tpu.memref_slice %arg3[%dma_wait3A_307, %dma_wait3A_312, %dma_wait3A_313] : memref<16x512x512xi32, #tpu.memory_space<hbm>> -> memref<1x32x512xi32, #tpu.memory_space<hbm>>
      %dma_wait3A_315 = tpu.memref_squeeze %dma_wait3A_314 : memref<1x32x512xi32, #tpu.memory_space<hbm>> -> memref<32x512xi32, #tpu.memory_space<hbm>>
      tpu.wait_dma2 semaphore(%arg17 : memref<!tpu.dma_semaphore, #tpu.memory_space<semaphore_mem>>) src(%dma_wait3A_315 : memref<32x512xi32, #tpu.memory_space<hbm>>) dst(%arg7 : memref<32x512xi32, #tpu.memory_space<vmem>>)
      %parallel_loop3A_316 = arith.constant 0 : i32
      %parallel_loop3A_317 = arith.constant 1024 : i32
      %parallel_loop3A_318 = arith.constant 1 : i32
      scf.for %parallel_loop3A_362 = %parallel_loop3A_316 to %parallel_loop3A_317 step %parallel_loop3A_318  : i32 {
        %parallel_loop3A_363 = arith.constant 5 : i32
        %parallel_loop3A_364 = arith.shrui %parallel_loop3A_362, %parallel_loop3A_363 : i32
        %parallel_loop3A_365 = arith.constant 31 : i32
        %parallel_loop3A_366 = arith.andi %parallel_loop3A_362, %parallel_loop3A_365 : i32
        %parallel_loop3A_367 = arith.constant 16 : i32
        %parallel_loop3A_368 = arith.muli %parallel_loop3A_366, %parallel_loop3A_367 : i32
        %parallel_loop3A_369 = arith.index_cast %parallel_loop3A_364 : i32 to index
        %parallel_loop3A_370 = arith.index_cast %parallel_loop3A_368 : i32 to index
        %parallel_loop3A_371 = tpu.vector_load %arg6[%parallel_loop3A_369, %parallel_loop3A_370] {strides = array<i32>} : memref<32x512xi32, #tpu.memory_space<vmem>>, vector<16xi32>,
        %parallel_loop3A_372 = arith.index_cast %parallel_loop3A_364 : i32 to index
        %parallel_loop3A_373 = arith.index_cast %parallel_loop3A_368 : i32 to index
        %parallel_loop3A_374 = tpu.vector_load %arg7[%parallel_loop3A_372, %parallel_loop3A_373] {strides = array<i32>} : memref<32x512xi32, #tpu.memory_space<vmem>>, vector<16xi32>,
        %parallel_loop3A_375 = arith.constant 150 : i32
        %parallel_loop3A_376 = vector.broadcast %parallel_loop3A_375 : i32 to vector<16xi32>
        %parallel_loop3A_377 = arith.muli %parallel_loop3A_374, %parallel_loop3A_376 : vector<16xi32>
        %parallel_loop3A_378 = arith.addi %parallel_loop3A_377, %parallel_loop3A_371 : vector<16xi32>
        tpu.vector_store_idx %arg10[%parallel_loop3A_378], %broadcast_in_dim3A_33 {add = true} : memref<22528xf32, #tpu.memory_space<vmem>>[vector<16xi32>], vector<16xf32>,
      } {sc.loop_unroll_factor = 8 : i64, sc.parallel_access}
      %add3A_319 = arith.constant 2 : i32
      %add3A_320 = arith.addi %mul3A_280, %add3A_319 : i32
      %lt3A_321 = arith.constant 8 : i32
      %lt3A_322 = arith.cmpi slt, %add3A_320, %lt3A_321 : i32
      %mul3A_323 = arith.constant 32 : i32
      %mul3A_324 = arith.muli %add3A_320, %mul3A_323 : i32
      %add3A_325 = arith.addi %mul3A_32, %mul3A_324 : i32
      %jit3A_326 = arith.constant 0 : i32
      %select_n3A_327 = arith.select %lt3A_322, %add3A_325, %jit3A_326 : i32
      %dma_start3A_328 = arith.constant 0 : i32
      %dma_start3A_329 = tpu.memref_slice %arg2[%select_n3A, %select_n3A_327, %dma_start3A_328] : memref<16x512x512xi32, #tpu.memory_space<hbm>> -> memref<1x32x512xi32, #tpu.memory_space<hbm>>
      %dma_start3A_330 = tpu.memref_squeeze %dma_start3A_329 : memref<1x32x512xi32, #tpu.memory_space<hbm>> -> memref<32x512xi32, #tpu.memory_space<hbm>>
      %dma_start3A_331 = arith.constant 0 : i32
      %dma_start3A_332 = tpu.memref_slice %arg2[%select_n3A, %select_n3A_327, %dma_start3A_331] : memref<16x512x512xi32, #tpu.memory_space<hbm>> -> memref<1x32x512xi32, #tpu.memory_space<hbm>>
      %dma_start3A_333 = tpu.memref_squeeze %dma_start3A_332 : memref<1x32x512xi32, #tpu.memory_space<hbm>> -> memref<32x512xi32, #tpu.memory_space<hbm>>
      tpu.enqueue_dma source(%dma_start3A_333 : memref<32x512xi32, #tpu.memory_space<hbm>>) target(%arg6 : memref<32x512xi32, #tpu.memory_space<vmem>>) target_semaphore(%arg16 : memref<!tpu.dma_semaphore, #tpu.memory_space<semaphore_mem>>)
      %dma_start3A_334 = arith.constant 0 : i32
      %dma_start3A_335 = tpu.memref_slice %arg3[%select_n3A, %select_n3A_327, %dma_start3A_334] : memref<16x512x512xi32, #tpu.memory_space<hbm>> -> memref<1x32x512xi32, #tpu.memory_space<hbm>>
      %dma_start3A_336 = tpu.memref_squeeze %dma_start3A_335 : memref<1x32x512xi32, #tpu.memory_space<hbm>> -> memref<32x512xi32, #tpu.memory_space<hbm>>
      %dma_start3A_337 = arith.constant 0 : i32
      %dma_start3A_338 = tpu.memref_slice %arg3[%select_n3A, %select_n3A_327, %dma_start3A_337] : memref<16x512x512xi32, #tpu.memory_space<hbm>> -> memref<1x32x512xi32, #tpu.memory_space<hbm>>
      %dma_start3A_339 = tpu.memref_squeeze %dma_start3A_338 : memref<1x32x512xi32, #tpu.memory_space<hbm>> -> memref<32x512xi32, #tpu.memory_space<hbm>>
      tpu.enqueue_dma source(%dma_start3A_339 : memref<32x512xi32, #tpu.memory_space<hbm>>) target(%arg7 : memref<32x512xi32, #tpu.memory_space<vmem>>) target_semaphore(%arg17 : memref<!tpu.dma_semaphore, #tpu.memory_space<semaphore_mem>>)
      %dma_wait3A_340 = arith.constant 0 : i32
      %dma_wait3A_341 = arith.constant 0 : i32
      %dma_wait3A_342 = arith.constant 0 : i32
      %dma_wait3A_343 = tpu.memref_slice %arg2[%dma_wait3A_340, %dma_wait3A_341, %dma_wait3A_342] : memref<16x512x512xi32, #tpu.memory_space<hbm>> -> memref<1x32x512xi32, #tpu.memory_space<hbm>>
      %dma_wait3A_344 = tpu.memref_squeeze %dma_wait3A_343 : memref<1x32x512xi32, #tpu.memory_space<hbm>> -> memref<32x512xi32, #tpu.memory_space<hbm>>
      %dma_wait3A_345 = arith.constant 0 : i32
      %dma_wait3A_346 = arith.constant 0 : i32
      %dma_wait3A_347 = tpu.memref_slice %arg2[%dma_wait3A_340, %dma_wait3A_345, %dma_wait3A_346] : memref<16x512x512xi32, #tpu.memory_space<hbm>> -> memref<1x32x512xi32, #tpu.memory_space<hbm>>
      %dma_wait3A_348 = tpu.memref_squeeze %dma_wait3A_347 : memref<1x32x512xi32, #tpu.memory_space<hbm>> -> memref<32x512xi32, #tpu.memory_space<hbm>>
      tpu.wait_dma2 semaphore(%arg18 : memref<!tpu.dma_semaphore, #tpu.memory_space<semaphore_mem>>) src(%dma_wait3A_348 : memref<32x512xi32, #tpu.memory_space<hbm>>) dst(%arg8 : memref<32x512xi32, #tpu.memory_space<vmem>>)
      %dma_wait3A_349 = arith.constant 0 : i32
      %dma_wait3A_350 = arith.constant 0 : i32
      %dma_wait3A_351 = arith.constant 0 : i32
      %dma_wait3A_352 = tpu.memref_slice %arg3[%dma_wait3A_349, %dma_wait3A_350, %dma_wait3A_351] : memref<16x512x512xi32, #tpu.memory_space<hbm>> -> memref<1x32x512xi32, #tpu.memory_space<hbm>>
      %dma_wait3A_353 = tpu.memref_squeeze %dma_wait3A_352 : memref<1x32x512xi32, #tpu.memory_space<hbm>> -> memref<32x512xi32, #tpu.memory_space<hbm>>
      %dma_wait3A_354 = arith.constant 0 : i32
      %dma_wait3A_355 = arith.constant 0 : i32
      %dma_wait3A_356 = tpu.memref_slice %arg3[%dma_wait3A_349, %dma_wait3A_354, %dma_wait3A_355] : memref<16x512x512xi32, #tpu.memory_space<hbm>> -> memref<1x32x512xi32, #tpu.memory_space<hbm>>
      %dma_wait3A_357 = tpu.memref_squeeze %dma_wait3A_356 : memref<1x32x512xi32, #tpu.memory_space<hbm>> -> memref<32x512xi32, #tpu.memory_space<hbm>>
      tpu.wait_dma2 semaphore(%arg19 : memref<!tpu.dma_semaphore, #tpu.memory_space<semaphore_mem>>) src(%dma_wait3A_357 : memref<32x512xi32, #tpu.memory_space<hbm>>) dst(%arg9 : memref<32x512xi32, #tpu.memory_space<vmem>>)
      %parallel_loop3A_358 = arith.constant 0 : i32
      %parallel_loop3A_359 = arith.constant 1024 : i32
      %parallel_loop3A_360 = arith.constant 1 : i32
      scf.for %parallel_loop3A_362 = %parallel_loop3A_358 to %parallel_loop3A_359 step %parallel_loop3A_360  : i32 {
        %parallel_loop3A_363 = arith.constant 5 : i32
        %parallel_loop3A_364 = arith.shrui %parallel_loop3A_362, %parallel_loop3A_363 : i32
        %parallel_loop3A_365 = arith.constant 31 : i32
        %parallel_loop3A_366 = arith.andi %parallel_loop3A_362, %parallel_loop3A_365 : i32
        %parallel_loop3A_367 = arith.constant 16 : i32
        %parallel_loop3A_368 = arith.muli %parallel_loop3A_366, %parallel_loop3A_367 : i32
        %parallel_loop3A_369 = arith.index_cast %parallel_loop3A_364 : i32 to index
        %parallel_loop3A_370 = arith.index_cast %parallel_loop3A_368 : i32 to index
        %parallel_loop3A_371 = tpu.vector_load %arg8[%parallel_loop3A_369, %parallel_loop3A_370] {strides = array<i32>} : memref<32x512xi32, #tpu.memory_space<vmem>>, vector<16xi32>,
        %parallel_loop3A_372 = arith.index_cast %parallel_loop3A_364 : i32 to index
        %parallel_loop3A_373 = arith.index_cast %parallel_loop3A_368 : i32 to index
        %parallel_loop3A_374 = tpu.vector_load %arg9[%parallel_loop3A_372, %parallel_loop3A_373] {strides = array<i32>} : memref<32x512xi32, #tpu.memory_space<vmem>>, vector<16xi32>,
        %parallel_loop3A_375 = arith.constant 150 : i32
        %parallel_loop3A_376 = vector.broadcast %parallel_loop3A_375 : i32 to vector<16xi32>
        %parallel_loop3A_377 = arith.muli %parallel_loop3A_374, %parallel_loop3A_376 : vector<16xi32>
        %parallel_loop3A_378 = arith.addi %parallel_loop3A_377, %parallel_loop3A_371 : vector<16xi32>
        tpu.vector_store_idx %arg10[%parallel_loop3A_378], %broadcast_in_dim3A_33 {add = true} : memref<22528xf32, #tpu.memory_space<vmem>>[vector<16xi32>], vector<16xf32>,
      } {sc.loop_unroll_factor = 8 : i64, sc.parallel_access}
      %scan3A_361 = arith.constant 0 : i32
      scf.yield %scan3A_361 : i32
    }
    %scan3A_50 = arith.constant 4 : i32
    %dma_wait3A = arith.constant 0 : i32
    %dma_wait3A_51 = arith.constant 0 : i32
    %dma_wait3A_52 = arith.constant 0 : i32
    %dma_wait3A_53 = tpu.memref_slice %arg2[%dma_wait3A, %dma_wait3A_51, %dma_wait3A_52] : memref<16x512x512xi32, #tpu.memory_space<hbm>> -> memref<1x32x512xi32, #tpu.memory_space<hbm>>
    %dma_wait3A_54 = tpu.memref_squeeze %dma_wait3A_53 : memref<1x32x512xi32, #tpu.memory_space<hbm>> -> memref<32x512xi32, #tpu.memory_space<hbm>>
    %dma_wait3A_55 = arith.constant 0 : i32
    %dma_wait3A_56 = arith.constant 0 : i32
    %dma_wait3A_57 = tpu.memref_slice %arg2[%dma_wait3A, %dma_wait3A_55, %dma_wait3A_56] : memref<16x512x512xi32, #tpu.memory_space<hbm>> -> memref<1x32x512xi32, #tpu.memory_space<hbm>>
    %dma_wait3A_58 = tpu.memref_squeeze %dma_wait3A_57 : memref<1x32x512xi32, #tpu.memory_space<hbm>> -> memref<32x512xi32, #tpu.memory_space<hbm>>
    tpu.wait_dma2 semaphore(%arg16 : memref<!tpu.dma_semaphore, #tpu.memory_space<semaphore_mem>>) src(%dma_wait3A_58 : memref<32x512xi32, #tpu.memory_space<hbm>>) dst(%arg6 : memref<32x512xi32, #tpu.memory_space<vmem>>)
    %dma_wait3A_59 = arith.constant 0 : i32
    %dma_wait3A_60 = arith.constant 0 : i32
    %dma_wait3A_61 = arith.constant 0 : i32
    %dma_wait3A_62 = tpu.memref_slice %arg3[%dma_wait3A_59, %dma_wait3A_60, %dma_wait3A_61] : memref<16x512x512xi32, #tpu.memory_space<hbm>> -> memref<1x32x512xi32, #tpu.memory_space<hbm>>
    %dma_wait3A_63 = tpu.memref_squeeze %dma_wait3A_62 : memref<1x32x512xi32, #tpu.memory_space<hbm>> -> memref<32x512xi32, #tpu.memory_space<hbm>>
    %dma_wait3A_64 = arith.constant 0 : i32
    %dma_wait3A_65 = arith.constant 0 : i32
    %dma_wait3A_66 = tpu.memref_slice %arg3[%dma_wait3A_59, %dma_wait3A_64, %dma_wait3A_65] : memref<16x512x512xi32, #tpu.memory_space<hbm>> -> memref<1x32x512xi32, #tpu.memory_space<hbm>>
    %dma_wait3A_67 = tpu.memref_squeeze %dma_wait3A_66 : memref<1x32x512xi32, #tpu.memory_space<hbm>> -> memref<32x512xi32, #tpu.memory_space<hbm>>
    tpu.wait_dma2 semaphore(%arg17 : memref<!tpu.dma_semaphore, #tpu.memory_space<semaphore_mem>>) src(%dma_wait3A_67 : memref<32x512xi32, #tpu.memory_space<hbm>>) dst(%arg7 : memref<32x512xi32, #tpu.memory_space<vmem>>)
    "tpu.region"() ({
      %run_scoped3A = tpu.sem_alloc : memref<!tpu.dma_semaphore, #tpu.memory_space<semaphore_mem>>
      %dma_start3A_277 = arith.constant 0 : i32
      %dma_start3A_278 = tpu.memref_slice %arg15[%arg1, %dma_start3A_277] : memref<16x22528xf32, #tpu.memory_space<vmem_shared>> -> memref<1x22528xf32, #tpu.memory_space<vmem_shared>>
      %dma_start3A_279 = tpu.memref_squeeze %dma_start3A_278 : memref<1x22528xf32, #tpu.memory_space<vmem_shared>> -> memref<22528xf32, #tpu.memory_space<vmem_shared>>
      %dma_start3A_280 = arith.constant 0 : i32
      %dma_start3A_281 = tpu.memref_slice %arg15[%arg1, %dma_start3A_280] : memref<16x22528xf32, #tpu.memory_space<vmem_shared>> -> memref<1x22528xf32, #tpu.memory_space<vmem_shared>>
      %dma_start3A_282 = tpu.memref_squeeze %dma_start3A_281 : memref<1x22528xf32, #tpu.memory_space<vmem_shared>> -> memref<22528xf32, #tpu.memory_space<vmem_shared>>
      tpu.enqueue_dma source(%arg10 : memref<22528xf32, #tpu.memory_space<vmem>>) target(%dma_start3A_282 : memref<22528xf32, #tpu.memory_space<vmem_shared>>) target_semaphore(%run_scoped3A : memref<!tpu.dma_semaphore, #tpu.memory_space<semaphore_mem>>)
      %dma_wait3A_283 = arith.constant 0 : i32
      %dma_wait3A_284 = tpu.memref_slice %arg15[%arg1, %dma_wait3A_283] : memref<16x22528xf32, #tpu.memory_space<vmem_shared>> -> memref<1x22528xf32, #tpu.memory_space<vmem_shared>>
      %dma_wait3A_285 = tpu.memref_squeeze %dma_wait3A_284 : memref<1x22528xf32, #tpu.memory_space<vmem_shared>> -> memref<22528xf32, #tpu.memory_space<vmem_shared>>
      %dma_wait3A_286 = arith.constant 0 : i32
      %dma_wait3A_287 = tpu.memref_slice %arg15[%arg1, %dma_wait3A_286] : memref<16x22528xf32, #tpu.memory_space<vmem_shared>> -> memref<1x22528xf32, #tpu.memory_space<vmem_shared>>
      %dma_wait3A_288 = tpu.memref_squeeze %dma_wait3A_287 : memref<1x22528xf32, #tpu.memory_space<vmem_shared>> -> memref<22528xf32, #tpu.memory_space<vmem_shared>>
      tpu.wait_dma2 semaphore(%run_scoped3A : memref<!tpu.dma_semaphore, #tpu.memory_space<semaphore_mem>>) src(%arg10 : memref<22528xf32, #tpu.memory_space<vmem>>) dst(%dma_wait3A_288 : memref<22528xf32, #tpu.memory_space<vmem_shared>>)
      tpu.yield
    }) : () -> ()
    %barrier3A = arith.constant 0 : index
    tpu.barrier barrier_id(%barrier3A)
    %mul3A_68 = arith.constant 1408 : i32
    %mul3A_69 = arith.muli %arg1, %mul3A_68 : i32
    %dma_start3A_70 = arith.constant 0 : i32
    %dma_start3A_71 = tpu.memref_slice %arg15[%dma_start3A_70, %mul3A_69] : memref<16x22528xf32, #tpu.memory_space<vmem_shared>> -> memref<1x1408xf32, #tpu.memory_space<vmem_shared>>
    %dma_start3A_72 = tpu.memref_squeeze %dma_start3A_71 : memref<1x1408xf32, #tpu.memory_space<vmem_shared>> -> memref<1408xf32, #tpu.memory_space<vmem_shared>>
    %dma_start3A_73 = tpu.memref_slice %arg15[%dma_start3A_70, %mul3A_69] : memref<16x22528xf32, #tpu.memory_space<vmem_shared>> -> memref<1x1408xf32, #tpu.memory_space<vmem_shared>>
    %dma_start3A_74 = tpu.memref_squeeze %dma_start3A_73 : memref<1x1408xf32, #tpu.memory_space<vmem_shared>> -> memref<1408xf32, #tpu.memory_space<vmem_shared>>
    tpu.enqueue_dma source(%dma_start3A_74 : memref<1408xf32, #tpu.memory_space<vmem_shared>>) target(%arg11 : memref<1408xf32, #tpu.memory_space<vmem>>) target_semaphore(%arg16 : memref<!tpu.dma_semaphore, #tpu.memory_space<semaphore_mem>>)
    %dma_start3A_75 = arith.constant 1 : i32
    %dma_start3A_76 = tpu.memref_slice %arg15[%dma_start3A_75, %mul3A_69] : memref<16x22528xf32, #tpu.memory_space<vmem_shared>> -> memref<1x1408xf32, #tpu.memory_space<vmem_shared>>
    %dma_start3A_77 = tpu.memref_squeeze %dma_start3A_76 : memref<1x1408xf32, #tpu.memory_space<vmem_shared>> -> memref<1408xf32, #tpu.memory_space<vmem_shared>>
    %dma_start3A_78 = tpu.memref_slice %arg15[%dma_start3A_75, %mul3A_69] : memref<16x22528xf32, #tpu.memory_space<vmem_shared>> -> memref<1x1408xf32, #tpu.memory_space<vmem_shared>>
    %dma_start3A_79 = tpu.memref_squeeze %dma_start3A_78 : memref<1x1408xf32, #tpu.memory_space<vmem_shared>> -> memref<1408xf32, #tpu.memory_space<vmem_shared>>
    tpu.enqueue_dma source(%dma_start3A_79 : memref<1408xf32, #tpu.memory_space<vmem_shared>>) target(%arg12 : memref<1408xf32, #tpu.memory_space<vmem>>) target_semaphore(%arg17 : memref<!tpu.dma_semaphore, #tpu.memory_space<semaphore_mem>>)
    %dma_start3A_80 = arith.constant 2 : i32
    %dma_start3A_81 = tpu.memref_slice %arg15[%dma_start3A_80, %mul3A_69] : memref<16x22528xf32, #tpu.memory_space<vmem_shared>> -> memref<1x1408xf32, #tpu.memory_space<vmem_shared>>
    %dma_start3A_82 = tpu.memref_squeeze %dma_start3A_81 : memref<1x1408xf32, #tpu.memory_space<vmem_shared>> -> memref<1408xf32, #tpu.memory_space<vmem_shared>>
    %dma_start3A_83 = tpu.memref_slice %arg15[%dma_start3A_80, %mul3A_69] : memref<16x22528xf32, #tpu.memory_space<vmem_shared>> -> memref<1x1408xf32, #tpu.memory_space<vmem_shared>>
    %dma_start3A_84 = tpu.memref_squeeze %dma_start3A_83 : memref<1x1408xf32, #tpu.memory_space<vmem_shared>> -> memref<1408xf32, #tpu.memory_space<vmem_shared>>
    tpu.enqueue_dma source(%dma_start3A_84 : memref<1408xf32, #tpu.memory_space<vmem_shared>>) target(%arg13 : memref<1408xf32, #tpu.memory_space<vmem>>) target_semaphore(%arg18 : memref<!tpu.dma_semaphore, #tpu.memory_space<semaphore_mem>>)
    %dma_start3A_85 = arith.constant 3 : i32
    %dma_start3A_86 = tpu.memref_slice %arg15[%dma_start3A_85, %mul3A_69] : memref<16x22528xf32, #tpu.memory_space<vmem_shared>> -> memref<1x1408xf32, #tpu.memory_space<vmem_shared>>
    %dma_start3A_87 = tpu.memref_squeeze %dma_start3A_86 : memref<1x1408xf32, #tpu.memory_space<vmem_shared>> -> memref<1408xf32, #tpu.memory_space<vmem_shared>>
    %dma_start3A_88 = tpu.memref_slice %arg15[%dma_start3A_85, %mul3A_69] : memref<16x22528xf32, #tpu.memory_space<vmem_shared>> -> memref<1x1408xf32, #tpu.memory_space<vmem_shared>>
    %dma_start3A_89 = tpu.memref_squeeze %dma_start3A_88 : memref<1x1408xf32, #tpu.memory_space<vmem_shared>> -> memref<1408xf32, #tpu.memory_space<vmem_shared>>
    tpu.enqueue_dma source(%dma_start3A_89 : memref<1408xf32, #tpu.memory_space<vmem_shared>>) target(%arg14 : memref<1408xf32, #tpu.memory_space<vmem>>) target_semaphore(%arg19 : memref<!tpu.dma_semaphore, #tpu.memory_space<semaphore_mem>>)
    %dma_wait3A_90 = arith.constant 0 : i32
    %dma_wait3A_91 = tpu.memref_slice %arg15[%dma_wait3A_90, %mul3A_69] : memref<16x22528xf32, #tpu.memory_space<vmem_shared>> -> memref<1x1408xf32, #tpu.memory_space<vmem_shared>>
    %dma_wait3A_92 = tpu.memref_squeeze %dma_wait3A_91 : memref<1x1408xf32, #tpu.memory_space<vmem_shared>> -> memref<1408xf32, #tpu.memory_space<vmem_shared>>
    %dma_wait3A_93 = tpu.memref_slice %arg15[%dma_wait3A_90, %mul3A_69] : memref<16x22528xf32, #tpu.memory_space<vmem_shared>> -> memref<1x1408xf32, #tpu.memory_space<vmem_shared>>
    %dma_wait3A_94 = tpu.memref_squeeze %dma_wait3A_93 : memref<1x1408xf32, #tpu.memory_space<vmem_shared>> -> memref<1408xf32, #tpu.memory_space<vmem_shared>>
    tpu.wait_dma2 semaphore(%arg16 : memref<!tpu.dma_semaphore, #tpu.memory_space<semaphore_mem>>) src(%dma_wait3A_94 : memref<1408xf32, #tpu.memory_space<vmem_shared>>) dst(%arg11 : memref<1408xf32, #tpu.memory_space<vmem>>)
    %parallel_loop3A = arith.constant 0 : i32
    %parallel_loop3A_95 = arith.constant 88 : i32
    %parallel_loop3A_96 = arith.constant 1 : i32
    scf.for %parallel_loop3A_277 = %parallel_loop3A to %parallel_loop3A_95 step %parallel_loop3A_96  : i32 {
      %parallel_loop3A_278 = arith.constant 16 : i32
      %parallel_loop3A_279 = arith.muli %parallel_loop3A_277, %parallel_loop3A_278 : i32
      %parallel_loop3A_280 = arith.addi %mul3A_69, %parallel_loop3A_279 : i32
      %parallel_loop3A_281 = arith.constant 16 : i32
      %parallel_loop3A_282 = arith.muli %parallel_loop3A_277, %parallel_loop3A_281 : i32
      %parallel_loop3A_283 = arith.index_cast %parallel_loop3A_282 : i32 to index
      %parallel_loop3A_284 = tpu.vector_load %arg11[%parallel_loop3A_283] {strides = array<i32>} : memref<1408xf32, #tpu.memory_space<vmem>>, vector<16xf32>,
      %parallel_loop3A_285 = arith.index_cast %parallel_loop3A_280 : i32 to index
      %parallel_loop3A_286 = tpu.vector_load %arg10[%parallel_loop3A_285] {strides = array<i32>} : memref<22528xf32, #tpu.memory_space<vmem>>, vector<16xf32>,
      tpu.vector_store %arg10[%parallel_loop3A_285], %parallel_loop3A_284 {strides = array<i32>} : memref<22528xf32, #tpu.memory_space<vmem>>, vector<16xf32>,
    } {sc.loop_unroll_factor = 8 : i64, sc.parallel_access}
    %dma_start3A_97 = arith.constant 4 : i32
    %dma_start3A_98 = tpu.memref_slice %arg15[%dma_start3A_97, %mul3A_69] : memref<16x22528xf32, #tpu.memory_space<vmem_shared>> -> memref<1x1408xf32, #tpu.memory_space<vmem_shared>>
    %dma_start3A_99 = tpu.memref_squeeze %dma_start3A_98 : memref<1x1408xf32, #tpu.memory_space<vmem_shared>> -> memref<1408xf32, #tpu.memory_space<vmem_shared>>
    %dma_start3A_100 = tpu.memref_slice %arg15[%dma_start3A_97, %mul3A_69] : memref<16x22528xf32, #tpu.memory_space<vmem_shared>> -> memref<1x1408xf32, #tpu.memory_space<vmem_shared>>
    %dma_start3A_101 = tpu.memref_squeeze %dma_start3A_100 : memref<1x1408xf32, #tpu.memory_space<vmem_shared>> -> memref<1408xf32, #tpu.memory_space<vmem_shared>>
    tpu.enqueue_dma source(%dma_start3A_101 : memref<1408xf32, #tpu.memory_space<vmem_shared>>) target(%arg11 : memref<1408xf32, #tpu.memory_space<vmem>>) target_semaphore(%arg16 : memref<!tpu.dma_semaphore, #tpu.memory_space<semaphore_mem>>)
    %dma_wait3A_102 = arith.constant 0 : i32
    %dma_wait3A_103 = tpu.memref_slice %arg15[%dma_wait3A_102, %mul3A_69] : memref<16x22528xf32, #tpu.memory_space<vmem_shared>> -> memref<1x1408xf32, #tpu.memory_space<vmem_shared>>
    %dma_wait3A_104 = tpu.memref_squeeze %dma_wait3A_103 : memref<1x1408xf32, #tpu.memory_space<vmem_shared>> -> memref<1408xf32, #tpu.memory_space<vmem_shared>>
    %dma_wait3A_105 = tpu.memref_slice %arg15[%dma_wait3A_102, %mul3A_69] : memref<16x22528xf32, #tpu.memory_space<vmem_shared>> -> memref<1x1408xf32, #tpu.memory_space<vmem_shared>>
    %dma_wait3A_106 = tpu.memref_squeeze %dma_wait3A_105 : memref<1x1408xf32, #tpu.memory_space<vmem_shared>> -> memref<1408xf32, #tpu.memory_space<vmem_shared>>
    tpu.wait_dma2 semaphore(%arg17 : memref<!tpu.dma_semaphore, #tpu.memory_space<semaphore_mem>>) src(%dma_wait3A_106 : memref<1408xf32, #tpu.memory_space<vmem_shared>>) dst(%arg12 : memref<1408xf32, #tpu.memory_space<vmem>>)
    %parallel_loop3A_107 = arith.constant 0 : i32
    %parallel_loop3A_108 = arith.constant 88 : i32
    %parallel_loop3A_109 = arith.constant 1 : i32
    scf.for %parallel_loop3A_277 = %parallel_loop3A_107 to %parallel_loop3A_108 step %parallel_loop3A_109  : i32 {
      %parallel_loop3A_278 = arith.constant 16 : i32
      %parallel_loop3A_279 = arith.muli %parallel_loop3A_277, %parallel_loop3A_278 : i32
      %parallel_loop3A_280 = arith.addi %mul3A_69, %parallel_loop3A_279 : i32
      %parallel_loop3A_281 = arith.index_cast %parallel_loop3A_280 : i32 to index
      %parallel_loop3A_282 = tpu.vector_load %arg10[%parallel_loop3A_281] {strides = array<i32>} : memref<22528xf32, #tpu.memory_space<vmem>>, vector<16xf32>,
      %parallel_loop3A_283 = arith.constant 16 : i32
      %parallel_loop3A_284 = arith.muli %parallel_loop3A_277, %parallel_loop3A_283 : i32
      %parallel_loop3A_285 = arith.index_cast %parallel_loop3A_284 : i32 to index
      %parallel_loop3A_286 = tpu.vector_load %arg12[%parallel_loop3A_285] {strides = array<i32>} : memref<1408xf32, #tpu.memory_space<vmem>>, vector<16xf32>,
      %parallel_loop3A_287 = arith.addf %parallel_loop3A_282, %parallel_loop3A_286 : vector<16xf32>
      %parallel_loop3A_288 = arith.index_cast %parallel_loop3A_280 : i32 to index
      %parallel_loop3A_289 = tpu.vector_load %arg10[%parallel_loop3A_288] {strides = array<i32>} : memref<22528xf32, #tpu.memory_space<vmem>>, vector<16xf32>,
      tpu.vector_store %arg10[%parallel_loop3A_288], %parallel_loop3A_287 {strides = array<i32>} : memref<22528xf32, #tpu.memory_space<vmem>>, vector<16xf32>,
    } {sc.loop_unroll_factor = 8 : i64, sc.parallel_access}
    %dma_start3A_110 = arith.constant 5 : i32
    %dma_start3A_111 = tpu.memref_slice %arg15[%dma_start3A_110, %mul3A_69] : memref<16x22528xf32, #tpu.memory_space<vmem_shared>> -> memref<1x1408xf32, #tpu.memory_space<vmem_shared>>
    %dma_start3A_112 = tpu.memref_squeeze %dma_start3A_111 : memref<1x1408xf32, #tpu.memory_space<vmem_shared>> -> memref<1408xf32, #tpu.memory_space<vmem_shared>>
    %dma_start3A_113 = tpu.memref_slice %arg15[%dma_start3A_110, %mul3A_69] : memref<16x22528xf32, #tpu.memory_space<vmem_shared>> -> memref<1x1408xf32, #tpu.memory_space<vmem_shared>>
    %dma_start3A_114 = tpu.memref_squeeze %dma_start3A_113 : memref<1x1408xf32, #tpu.memory_space<vmem_shared>> -> memref<1408xf32, #tpu.memory_space<vmem_shared>>
    tpu.enqueue_dma source(%dma_start3A_114 : memref<1408xf32, #tpu.memory_space<vmem_shared>>) target(%arg12 : memref<1408xf32, #tpu.memory_space<vmem>>) target_semaphore(%arg17 : memref<!tpu.dma_semaphore, #tpu.memory_space<semaphore_mem>>)
    %dma_wait3A_115 = arith.constant 0 : i32
    %dma_wait3A_116 = tpu.memref_slice %arg15[%dma_wait3A_115, %mul3A_69] : memref<16x22528xf32, #tpu.memory_space<vmem_shared>> -> memref<1x1408xf32, #tpu.memory_space<vmem_shared>>
    %dma_wait3A_117 = tpu.memref_squeeze %dma_wait3A_116 : memref<1x1408xf32, #tpu.memory_space<vmem_shared>> -> memref<1408xf32, #tpu.memory_space<vmem_shared>>
    %dma_wait3A_118 = tpu.memref_slice %arg15[%dma_wait3A_115, %mul3A_69] : memref<16x22528xf32, #tpu.memory_space<vmem_shared>> -> memref<1x1408xf32, #tpu.memory_space<vmem_shared>>
    %dma_wait3A_119 = tpu.memref_squeeze %dma_wait3A_118 : memref<1x1408xf32, #tpu.memory_space<vmem_shared>> -> memref<1408xf32, #tpu.memory_space<vmem_shared>>
    tpu.wait_dma2 semaphore(%arg18 : memref<!tpu.dma_semaphore, #tpu.memory_space<semaphore_mem>>) src(%dma_wait3A_119 : memref<1408xf32, #tpu.memory_space<vmem_shared>>) dst(%arg13 : memref<1408xf32, #tpu.memory_space<vmem>>)
    %parallel_loop3A_120 = arith.constant 0 : i32
    %parallel_loop3A_121 = arith.constant 88 : i32
    %parallel_loop3A_122 = arith.constant 1 : i32
    scf.for %parallel_loop3A_277 = %parallel_loop3A_120 to %parallel_loop3A_121 step %parallel_loop3A_122  : i32 {
      %parallel_loop3A_278 = arith.constant 16 : i32
      %parallel_loop3A_279 = arith.muli %parallel_loop3A_277, %parallel_loop3A_278 : i32
      %parallel_loop3A_280 = arith.addi %mul3A_69, %parallel_loop3A_279 : i32
      %parallel_loop3A_281 = arith.index_cast %parallel_loop3A_280 : i32 to index
      %parallel_loop3A_282 = tpu.vector_load %arg10[%parallel_loop3A_281] {strides = array<i32>} : memref<22528xf32, #tpu.memory_space<vmem>>, vector<16xf32>,
      %parallel_loop3A_283 = arith.constant 16 : i32
      %parallel_loop3A_284 = arith.muli %parallel_loop3A_277, %parallel_loop3A_283 : i32
      %parallel_loop3A_285 = arith.index_cast %parallel_loop3A_284 : i32 to index
      %parallel_loop3A_286 = tpu.vector_load %arg13[%parallel_loop3A_285] {strides = array<i32>} : memref<1408xf32, #tpu.memory_space<vmem>>, vector<16xf32>,
      %parallel_loop3A_287 = arith.addf %parallel_loop3A_282, %parallel_loop3A_286 : vector<16xf32>
      %parallel_loop3A_288 = arith.index_cast %parallel_loop3A_280 : i32 to index
      %parallel_loop3A_289 = tpu.vector_load %arg10[%parallel_loop3A_288] {strides = array<i32>} : memref<22528xf32, #tpu.memory_space<vmem>>, vector<16xf32>,
      tpu.vector_store %arg10[%parallel_loop3A_288], %parallel_loop3A_287 {strides = array<i32>} : memref<22528xf32, #tpu.memory_space<vmem>>, vector<16xf32>,
    } {sc.loop_unroll_factor = 8 : i64, sc.parallel_access}
    %dma_start3A_123 = arith.constant 6 : i32
    %dma_start3A_124 = tpu.memref_slice %arg15[%dma_start3A_123, %mul3A_69] : memref<16x22528xf32, #tpu.memory_space<vmem_shared>> -> memref<1x1408xf32, #tpu.memory_space<vmem_shared>>
    %dma_start3A_125 = tpu.memref_squeeze %dma_start3A_124 : memref<1x1408xf32, #tpu.memory_space<vmem_shared>> -> memref<1408xf32, #tpu.memory_space<vmem_shared>>
    %dma_start3A_126 = tpu.memref_slice %arg15[%dma_start3A_123, %mul3A_69] : memref<16x22528xf32, #tpu.memory_space<vmem_shared>> -> memref<1x1408xf32, #tpu.memory_space<vmem_shared>>
    %dma_start3A_127 = tpu.memref_squeeze %dma_start3A_126 : memref<1x1408xf32, #tpu.memory_space<vmem_shared>> -> memref<1408xf32, #tpu.memory_space<vmem_shared>>
    tpu.enqueue_dma source(%dma_start3A_127 : memref<1408xf32, #tpu.memory_space<vmem_shared>>) target(%arg13 : memref<1408xf32, #tpu.memory_space<vmem>>) target_semaphore(%arg18 : memref<!tpu.dma_semaphore, #tpu.memory_space<semaphore_mem>>)
    %dma_wait3A_128 = arith.constant 0 : i32
    %dma_wait3A_129 = tpu.memref_slice %arg15[%dma_wait3A_128, %mul3A_69] : memref<16x22528xf32, #tpu.memory_space<vmem_shared>> -> memref<1x1408xf32, #tpu.memory_space<vmem_shared>>
    %dma_wait3A_130 = tpu.memref_squeeze %dma_wait3A_129 : memref<1x1408xf32, #tpu.memory_space<vmem_shared>> -> memref<1408xf32, #tpu.memory_space<vmem_shared>>
    %dma_wait3A_131 = tpu.memref_slice %arg15[%dma_wait3A_128, %mul3A_69] : memref<16x22528xf32, #tpu.memory_space<vmem_shared>> -> memref<1x1408xf32, #tpu.memory_space<vmem_shared>>
    %dma_wait3A_132 = tpu.memref_squeeze %dma_wait3A_131 : memref<1x1408xf32, #tpu.memory_space<vmem_shared>> -> memref<1408xf32, #tpu.memory_space<vmem_shared>>
    tpu.wait_dma2 semaphore(%arg19 : memref<!tpu.dma_semaphore, #tpu.memory_space<semaphore_mem>>) src(%dma_wait3A_132 : memref<1408xf32, #tpu.memory_space<vmem_shared>>) dst(%arg14 : memref<1408xf32, #tpu.memory_space<vmem>>)
    %parallel_loop3A_133 = arith.constant 0 : i32
    %parallel_loop3A_134 = arith.constant 88 : i32
    %parallel_loop3A_135 = arith.constant 1 : i32
    scf.for %parallel_loop3A_277 = %parallel_loop3A_133 to %parallel_loop3A_134 step %parallel_loop3A_135  : i32 {
      %parallel_loop3A_278 = arith.constant 16 : i32
      %parallel_loop3A_279 = arith.muli %parallel_loop3A_277, %parallel_loop3A_278 : i32
      %parallel_loop3A_280 = arith.addi %mul3A_69, %parallel_loop3A_279 : i32
      %parallel_loop3A_281 = arith.index_cast %parallel_loop3A_280 : i32 to index
      %parallel_loop3A_282 = tpu.vector_load %arg10[%parallel_loop3A_281] {strides = array<i32>} : memref<22528xf32, #tpu.memory_space<vmem>>, vector<16xf32>,
      %parallel_loop3A_283 = arith.constant 16 : i32
      %parallel_loop3A_284 = arith.muli %parallel_loop3A_277, %parallel_loop3A_283 : i32
      %parallel_loop3A_285 = arith.index_cast %parallel_loop3A_284 : i32 to index
      %parallel_loop3A_286 = tpu.vector_load %arg14[%parallel_loop3A_285] {strides = array<i32>} : memref<1408xf32, #tpu.memory_space<vmem>>, vector<16xf32>,
      %parallel_loop3A_287 = arith.addf %parallel_loop3A_282, %parallel_loop3A_286 : vector<16xf32>
      %parallel_loop3A_288 = arith.index_cast %parallel_loop3A_280 : i32 to index
      %parallel_loop3A_289 = tpu.vector_load %arg10[%parallel_loop3A_288] {strides = array<i32>} : memref<22528xf32, #tpu.memory_space<vmem>>, vector<16xf32>,
      tpu.vector_store %arg10[%parallel_loop3A_288], %parallel_loop3A_287 {strides = array<i32>} : memref<22528xf32, #tpu.memory_space<vmem>>, vector<16xf32>,
    } {sc.loop_unroll_factor = 8 : i64, sc.parallel_access}
    %dma_start3A_136 = arith.constant 7 : i32
    %dma_start3A_137 = tpu.memref_slice %arg15[%dma_start3A_136, %mul3A_69] : memref<16x22528xf32, #tpu.memory_space<vmem_shared>> -> memref<1x1408xf32, #tpu.memory_space<vmem_shared>>
    %dma_start3A_138 = tpu.memref_squeeze %dma_start3A_137 : memref<1x1408xf32, #tpu.memory_space<vmem_shared>> -> memref<1408xf32, #tpu.memory_space<vmem_shared>>
    %dma_start3A_139 = tpu.memref_slice %arg15[%dma_start3A_136, %mul3A_69] : memref<16x22528xf32, #tpu.memory_space<vmem_shared>> -> memref<1x1408xf32, #tpu.memory_space<vmem_shared>>
    %dma_start3A_140 = tpu.memref_squeeze %dma_start3A_139 : memref<1x1408xf32, #tpu.memory_space<vmem_shared>> -> memref<1408xf32, #tpu.memory_space<vmem_shared>>
    tpu.enqueue_dma source(%dma_start3A_140 : memref<1408xf32, #tpu.memory_space<vmem_shared>>) target(%arg14 : memref<1408xf32, #tpu.memory_space<vmem>>) target_semaphore(%arg19 : memref<!tpu.dma_semaphore, #tpu.memory_space<semaphore_mem>>)
    %dma_wait3A_141 = arith.constant 0 : i32
    %dma_wait3A_142 = tpu.memref_slice %arg15[%dma_wait3A_141, %mul3A_69] : memref<16x22528xf32, #tpu.memory_space<vmem_shared>> -> memref<1x1408xf32, #tpu.memory_space<vmem_shared>>
    %dma_wait3A_143 = tpu.memref_squeeze %dma_wait3A_142 : memref<1x1408xf32, #tpu.memory_space<vmem_shared>> -> memref<1408xf32, #tpu.memory_space<vmem_shared>>
    %dma_wait3A_144 = tpu.memref_slice %arg15[%dma_wait3A_141, %mul3A_69] : memref<16x22528xf32, #tpu.memory_space<vmem_shared>> -> memref<1x1408xf32, #tpu.memory_space<vmem_shared>>
    %dma_wait3A_145 = tpu.memref_squeeze %dma_wait3A_144 : memref<1x1408xf32, #tpu.memory_space<vmem_shared>> -> memref<1408xf32, #tpu.memory_space<vmem_shared>>
    tpu.wait_dma2 semaphore(%arg16 : memref<!tpu.dma_semaphore, #tpu.memory_space<semaphore_mem>>) src(%dma_wait3A_145 : memref<1408xf32, #tpu.memory_space<vmem_shared>>) dst(%arg11 : memref<1408xf32, #tpu.memory_space<vmem>>)
    %parallel_loop3A_146 = arith.constant 0 : i32
    %parallel_loop3A_147 = arith.constant 88 : i32
    %parallel_loop3A_148 = arith.constant 1 : i32
    scf.for %parallel_loop3A_277 = %parallel_loop3A_146 to %parallel_loop3A_147 step %parallel_loop3A_148  : i32 {
      %parallel_loop3A_278 = arith.constant 16 : i32
      %parallel_loop3A_279 = arith.muli %parallel_loop3A_277, %parallel_loop3A_278 : i32
      %parallel_loop3A_280 = arith.addi %mul3A_69, %parallel_loop3A_279 : i32
      %parallel_loop3A_281 = arith.index_cast %parallel_loop3A_280 : i32 to index
      %parallel_loop3A_282 = tpu.vector_load %arg10[%parallel_loop3A_281] {strides = array<i32>} : memref<22528xf32, #tpu.memory_space<vmem>>, vector<16xf32>,
      %parallel_loop3A_283 = arith.constant 16 : i32
      %parallel_loop3A_284 = arith.muli %parallel_loop3A_277, %parallel_loop3A_283 : i32
      %parallel_loop3A_285 = arith.index_cast %parallel_loop3A_284 : i32 to index
      %parallel_loop3A_286 = tpu.vector_load %arg11[%parallel_loop3A_285] {strides = array<i32>} : memref<1408xf32, #tpu.memory_space<vmem>>, vector<16xf32>,
      %parallel_loop3A_287 = arith.addf %parallel_loop3A_282, %parallel_loop3A_286 : vector<16xf32>
      %parallel_loop3A_288 = arith.index_cast %parallel_loop3A_280 : i32 to index
      %parallel_loop3A_289 = tpu.vector_load %arg10[%parallel_loop3A_288] {strides = array<i32>} : memref<22528xf32, #tpu.memory_space<vmem>>, vector<16xf32>,
      tpu.vector_store %arg10[%parallel_loop3A_288], %parallel_loop3A_287 {strides = array<i32>} : memref<22528xf32, #tpu.memory_space<vmem>>, vector<16xf32>,
    } {sc.loop_unroll_factor = 8 : i64, sc.parallel_access}
    %dma_start3A_149 = arith.constant 8 : i32
    %dma_start3A_150 = tpu.memref_slice %arg15[%dma_start3A_149, %mul3A_69] : memref<16x22528xf32, #tpu.memory_space<vmem_shared>> -> memref<1x1408xf32, #tpu.memory_space<vmem_shared>>
    %dma_start3A_151 = tpu.memref_squeeze %dma_start3A_150 : memref<1x1408xf32, #tpu.memory_space<vmem_shared>> -> memref<1408xf32, #tpu.memory_space<vmem_shared>>
    %dma_start3A_152 = tpu.memref_slice %arg15[%dma_start3A_149, %mul3A_69] : memref<16x22528xf32, #tpu.memory_space<vmem_shared>> -> memref<1x1408xf32, #tpu.memory_space<vmem_shared>>
    %dma_start3A_153 = tpu.memref_squeeze %dma_start3A_152 : memref<1x1408xf32, #tpu.memory_space<vmem_shared>> -> memref<1408xf32, #tpu.memory_space<vmem_shared>>
    tpu.enqueue_dma source(%dma_start3A_153 : memref<1408xf32, #tpu.memory_space<vmem_shared>>) target(%arg11 : memref<1408xf32, #tpu.memory_space<vmem>>) target_semaphore(%arg16 : memref<!tpu.dma_semaphore, #tpu.memory_space<semaphore_mem>>)
    %dma_wait3A_154 = arith.constant 0 : i32
    %dma_wait3A_155 = tpu.memref_slice %arg15[%dma_wait3A_154, %mul3A_69] : memref<16x22528xf32, #tpu.memory_space<vmem_shared>> -> memref<1x1408xf32, #tpu.memory_space<vmem_shared>>
    %dma_wait3A_156 = tpu.memref_squeeze %dma_wait3A_155 : memref<1x1408xf32, #tpu.memory_space<vmem_shared>> -> memref<1408xf32, #tpu.memory_space<vmem_shared>>
    %dma_wait3A_157 = tpu.memref_slice %arg15[%dma_wait3A_154, %mul3A_69] : memref<16x22528xf32, #tpu.memory_space<vmem_shared>> -> memref<1x1408xf32, #tpu.memory_space<vmem_shared>>
    %dma_wait3A_158 = tpu.memref_squeeze %dma_wait3A_157 : memref<1x1408xf32, #tpu.memory_space<vmem_shared>> -> memref<1408xf32, #tpu.memory_space<vmem_shared>>
    tpu.wait_dma2 semaphore(%arg17 : memref<!tpu.dma_semaphore, #tpu.memory_space<semaphore_mem>>) src(%dma_wait3A_158 : memref<1408xf32, #tpu.memory_space<vmem_shared>>) dst(%arg12 : memref<1408xf32, #tpu.memory_space<vmem>>)
    %parallel_loop3A_159 = arith.constant 0 : i32
    %parallel_loop3A_160 = arith.constant 88 : i32
    %parallel_loop3A_161 = arith.constant 1 : i32
    scf.for %parallel_loop3A_277 = %parallel_loop3A_159 to %parallel_loop3A_160 step %parallel_loop3A_161  : i32 {
      %parallel_loop3A_278 = arith.constant 16 : i32
      %parallel_loop3A_279 = arith.muli %parallel_loop3A_277, %parallel_loop3A_278 : i32
      %parallel_loop3A_280 = arith.addi %mul3A_69, %parallel_loop3A_279 : i32
      %parallel_loop3A_281 = arith.index_cast %parallel_loop3A_280 : i32 to index
      %parallel_loop3A_282 = tpu.vector_load %arg10[%parallel_loop3A_281] {strides = array<i32>} : memref<22528xf32, #tpu.memory_space<vmem>>, vector<16xf32>,
      %parallel_loop3A_283 = arith.constant 16 : i32
      %parallel_loop3A_284 = arith.muli %parallel_loop3A_277, %parallel_loop3A_283 : i32
      %parallel_loop3A_285 = arith.index_cast %parallel_loop3A_284 : i32 to index
      %parallel_loop3A_286 = tpu.vector_load %arg12[%parallel_loop3A_285] {strides = array<i32>} : memref<1408xf32, #tpu.memory_space<vmem>>, vector<16xf32>,
      %parallel_loop3A_287 = arith.addf %parallel_loop3A_282, %parallel_loop3A_286 : vector<16xf32>
      %parallel_loop3A_288 = arith.index_cast %parallel_loop3A_280 : i32 to index
      %parallel_loop3A_289 = tpu.vector_load %arg10[%parallel_loop3A_288] {strides = array<i32>} : memref<22528xf32, #tpu.memory_space<vmem>>, vector<16xf32>,
      tpu.vector_store %arg10[%parallel_loop3A_288], %parallel_loop3A_287 {strides = array<i32>} : memref<22528xf32, #tpu.memory_space<vmem>>, vector<16xf32>,
    } {sc.loop_unroll_factor = 8 : i64, sc.parallel_access}
    %dma_start3A_162 = arith.constant 9 : i32
    %dma_start3A_163 = tpu.memref_slice %arg15[%dma_start3A_162, %mul3A_69] : memref<16x22528xf32, #tpu.memory_space<vmem_shared>> -> memref<1x1408xf32, #tpu.memory_space<vmem_shared>>
    %dma_start3A_164 = tpu.memref_squeeze %dma_start3A_163 : memref<1x1408xf32, #tpu.memory_space<vmem_shared>> -> memref<1408xf32, #tpu.memory_space<vmem_shared>>
    %dma_start3A_165 = tpu.memref_slice %arg15[%dma_start3A_162, %mul3A_69] : memref<16x22528xf32, #tpu.memory_space<vmem_shared>> -> memref<1x1408xf32, #tpu.memory_space<vmem_shared>>
    %dma_start3A_166 = tpu.memref_squeeze %dma_start3A_165 : memref<1x1408xf32, #tpu.memory_space<vmem_shared>> -> memref<1408xf32, #tpu.memory_space<vmem_shared>>
    tpu.enqueue_dma source(%dma_start3A_166 : memref<1408xf32, #tpu.memory_space<vmem_shared>>) target(%arg12 : memref<1408xf32, #tpu.memory_space<vmem>>) target_semaphore(%arg17 : memref<!tpu.dma_semaphore, #tpu.memory_space<semaphore_mem>>)
    %dma_wait3A_167 = arith.constant 0 : i32
    %dma_wait3A_168 = tpu.memref_slice %arg15[%dma_wait3A_167, %mul3A_69] : memref<16x22528xf32, #tpu.memory_space<vmem_shared>> -> memref<1x1408xf32, #tpu.memory_space<vmem_shared>>
    %dma_wait3A_169 = tpu.memref_squeeze %dma_wait3A_168 : memref<1x1408xf32, #tpu.memory_space<vmem_shared>> -> memref<1408xf32, #tpu.memory_space<vmem_shared>>
    %dma_wait3A_170 = tpu.memref_slice %arg15[%dma_wait3A_167, %mul3A_69] : memref<16x22528xf32, #tpu.memory_space<vmem_shared>> -> memref<1x1408xf32, #tpu.memory_space<vmem_shared>>
    %dma_wait3A_171 = tpu.memref_squeeze %dma_wait3A_170 : memref<1x1408xf32, #tpu.memory_space<vmem_shared>> -> memref<1408xf32, #tpu.memory_space<vmem_shared>>
    tpu.wait_dma2 semaphore(%arg18 : memref<!tpu.dma_semaphore, #tpu.memory_space<semaphore_mem>>) src(%dma_wait3A_171 : memref<1408xf32, #tpu.memory_space<vmem_shared>>) dst(%arg13 : memref<1408xf32, #tpu.memory_space<vmem>>)
    %parallel_loop3A_172 = arith.constant 0 : i32
    %parallel_loop3A_173 = arith.constant 88 : i32
    %parallel_loop3A_174 = arith.constant 1 : i32
    scf.for %parallel_loop3A_277 = %parallel_loop3A_172 to %parallel_loop3A_173 step %parallel_loop3A_174  : i32 {
      %parallel_loop3A_278 = arith.constant 16 : i32
      %parallel_loop3A_279 = arith.muli %parallel_loop3A_277, %parallel_loop3A_278 : i32
      %parallel_loop3A_280 = arith.addi %mul3A_69, %parallel_loop3A_279 : i32
      %parallel_loop3A_281 = arith.index_cast %parallel_loop3A_280 : i32 to index
      %parallel_loop3A_282 = tpu.vector_load %arg10[%parallel_loop3A_281] {strides = array<i32>} : memref<22528xf32, #tpu.memory_space<vmem>>, vector<16xf32>,
      %parallel_loop3A_283 = arith.constant 16 : i32
      %parallel_loop3A_284 = arith.muli %parallel_loop3A_277, %parallel_loop3A_283 : i32
      %parallel_loop3A_285 = arith.index_cast %parallel_loop3A_284 : i32 to index
      %parallel_loop3A_286 = tpu.vector_load %arg13[%parallel_loop3A_285] {strides = array<i32>} : memref<1408xf32, #tpu.memory_space<vmem>>, vector<16xf32>,
      %parallel_loop3A_287 = arith.addf %parallel_loop3A_282, %parallel_loop3A_286 : vector<16xf32>
      %parallel_loop3A_288 = arith.index_cast %parallel_loop3A_280 : i32 to index
      %parallel_loop3A_289 = tpu.vector_load %arg10[%parallel_loop3A_288] {strides = array<i32>} : memref<22528xf32, #tpu.memory_space<vmem>>, vector<16xf32>,
      tpu.vector_store %arg10[%parallel_loop3A_288], %parallel_loop3A_287 {strides = array<i32>} : memref<22528xf32, #tpu.memory_space<vmem>>, vector<16xf32>,
    } {sc.loop_unroll_factor = 8 : i64, sc.parallel_access}
    %dma_start3A_175 = arith.constant 10 : i32
    %dma_start3A_176 = tpu.memref_slice %arg15[%dma_start3A_175, %mul3A_69] : memref<16x22528xf32, #tpu.memory_space<vmem_shared>> -> memref<1x1408xf32, #tpu.memory_space<vmem_shared>>
    %dma_start3A_177 = tpu.memref_squeeze %dma_start3A_176 : memref<1x1408xf32, #tpu.memory_space<vmem_shared>> -> memref<1408xf32, #tpu.memory_space<vmem_shared>>
    %dma_start3A_178 = tpu.memref_slice %arg15[%dma_start3A_175, %mul3A_69] : memref<16x22528xf32, #tpu.memory_space<vmem_shared>> -> memref<1x1408xf32, #tpu.memory_space<vmem_shared>>
    %dma_start3A_179 = tpu.memref_squeeze %dma_start3A_178 : memref<1x1408xf32, #tpu.memory_space<vmem_shared>> -> memref<1408xf32, #tpu.memory_space<vmem_shared>>
    tpu.enqueue_dma source(%dma_start3A_179 : memref<1408xf32, #tpu.memory_space<vmem_shared>>) target(%arg13 : memref<1408xf32, #tpu.memory_space<vmem>>) target_semaphore(%arg18 : memref<!tpu.dma_semaphore, #tpu.memory_space<semaphore_mem>>)
    %dma_wait3A_180 = arith.constant 0 : i32
    %dma_wait3A_181 = tpu.memref_slice %arg15[%dma_wait3A_180, %mul3A_69] : memref<16x22528xf32, #tpu.memory_space<vmem_shared>> -> memref<1x1408xf32, #tpu.memory_space<vmem_shared>>
    %dma_wait3A_182 = tpu.memref_squeeze %dma_wait3A_181 : memref<1x1408xf32, #tpu.memory_space<vmem_shared>> -> memref<1408xf32, #tpu.memory_space<vmem_shared>>
    %dma_wait3A_183 = tpu.memref_slice %arg15[%dma_wait3A_180, %mul3A_69] : memref<16x22528xf32, #tpu.memory_space<vmem_shared>> -> memref<1x1408xf32, #tpu.memory_space<vmem_shared>>
    %dma_wait3A_184 = tpu.memref_squeeze %dma_wait3A_183 : memref<1x1408xf32, #tpu.memory_space<vmem_shared>> -> memref<1408xf32, #tpu.memory_space<vmem_shared>>
    tpu.wait_dma2 semaphore(%arg19 : memref<!tpu.dma_semaphore, #tpu.memory_space<semaphore_mem>>) src(%dma_wait3A_184 : memref<1408xf32, #tpu.memory_space<vmem_shared>>) dst(%arg14 : memref<1408xf32, #tpu.memory_space<vmem>>)
    %parallel_loop3A_185 = arith.constant 0 : i32
    %parallel_loop3A_186 = arith.constant 88 : i32
    %parallel_loop3A_187 = arith.constant 1 : i32
    scf.for %parallel_loop3A_277 = %parallel_loop3A_185 to %parallel_loop3A_186 step %parallel_loop3A_187  : i32 {
      %parallel_loop3A_278 = arith.constant 16 : i32
      %parallel_loop3A_279 = arith.muli %parallel_loop3A_277, %parallel_loop3A_278 : i32
      %parallel_loop3A_280 = arith.addi %mul3A_69, %parallel_loop3A_279 : i32
      %parallel_loop3A_281 = arith.index_cast %parallel_loop3A_280 : i32 to index
      %parallel_loop3A_282 = tpu.vector_load %arg10[%parallel_loop3A_281] {strides = array<i32>} : memref<22528xf32, #tpu.memory_space<vmem>>, vector<16xf32>,
      %parallel_loop3A_283 = arith.constant 16 : i32
      %parallel_loop3A_284 = arith.muli %parallel_loop3A_277, %parallel_loop3A_283 : i32
      %parallel_loop3A_285 = arith.index_cast %parallel_loop3A_284 : i32 to index
      %parallel_loop3A_286 = tpu.vector_load %arg14[%parallel_loop3A_285] {strides = array<i32>} : memref<1408xf32, #tpu.memory_space<vmem>>, vector<16xf32>,
      %parallel_loop3A_287 = arith.addf %parallel_loop3A_282, %parallel_loop3A_286 : vector<16xf32>
      %parallel_loop3A_288 = arith.index_cast %parallel_loop3A_280 : i32 to index
      %parallel_loop3A_289 = tpu.vector_load %arg10[%parallel_loop3A_288] {strides = array<i32>} : memref<22528xf32, #tpu.memory_space<vmem>>, vector<16xf32>,
      tpu.vector_store %arg10[%parallel_loop3A_288], %parallel_loop3A_287 {strides = array<i32>} : memref<22528xf32, #tpu.memory_space<vmem>>, vector<16xf32>,
    } {sc.loop_unroll_factor = 8 : i64, sc.parallel_access}
    %dma_start3A_188 = arith.constant 11 : i32
    %dma_start3A_189 = tpu.memref_slice %arg15[%dma_start3A_188, %mul3A_69] : memref<16x22528xf32, #tpu.memory_space<vmem_shared>> -> memref<1x1408xf32, #tpu.memory_space<vmem_shared>>
    %dma_start3A_190 = tpu.memref_squeeze %dma_start3A_189 : memref<1x1408xf32, #tpu.memory_space<vmem_shared>> -> memref<1408xf32, #tpu.memory_space<vmem_shared>>
    %dma_start3A_191 = tpu.memref_slice %arg15[%dma_start3A_188, %mul3A_69] : memref<16x22528xf32, #tpu.memory_space<vmem_shared>> -> memref<1x1408xf32, #tpu.memory_space<vmem_shared>>
    %dma_start3A_192 = tpu.memref_squeeze %dma_start3A_191 : memref<1x1408xf32, #tpu.memory_space<vmem_shared>> -> memref<1408xf32, #tpu.memory_space<vmem_shared>>
    tpu.enqueue_dma source(%dma_start3A_192 : memref<1408xf32, #tpu.memory_space<vmem_shared>>) target(%arg14 : memref<1408xf32, #tpu.memory_space<vmem>>) target_semaphore(%arg19 : memref<!tpu.dma_semaphore, #tpu.memory_space<semaphore_mem>>)
    %dma_wait3A_193 = arith.constant 0 : i32
    %dma_wait3A_194 = tpu.memref_slice %arg15[%dma_wait3A_193, %mul3A_69] : memref<16x22528xf32, #tpu.memory_space<vmem_shared>> -> memref<1x1408xf32, #tpu.memory_space<vmem_shared>>
    %dma_wait3A_195 = tpu.memref_squeeze %dma_wait3A_194 : memref<1x1408xf32, #tpu.memory_space<vmem_shared>> -> memref<1408xf32, #tpu.memory_space<vmem_shared>>
    %dma_wait3A_196 = tpu.memref_slice %arg15[%dma_wait3A_193, %mul3A_69] : memref<16x22528xf32, #tpu.memory_space<vmem_shared>> -> memref<1x1408xf32, #tpu.memory_space<vmem_shared>>
    %dma_wait3A_197 = tpu.memref_squeeze %dma_wait3A_196 : memref<1x1408xf32, #tpu.memory_space<vmem_shared>> -> memref<1408xf32, #tpu.memory_space<vmem_shared>>
    tpu.wait_dma2 semaphore(%arg16 : memref<!tpu.dma_semaphore, #tpu.memory_space<semaphore_mem>>) src(%dma_wait3A_197 : memref<1408xf32, #tpu.memory_space<vmem_shared>>) dst(%arg11 : memref<1408xf32, #tpu.memory_space<vmem>>)
    %parallel_loop3A_198 = arith.constant 0 : i32
    %parallel_loop3A_199 = arith.constant 88 : i32
    %parallel_loop3A_200 = arith.constant 1 : i32
    scf.for %parallel_loop3A_277 = %parallel_loop3A_198 to %parallel_loop3A_199 step %parallel_loop3A_200  : i32 {
      %parallel_loop3A_278 = arith.constant 16 : i32
      %parallel_loop3A_279 = arith.muli %parallel_loop3A_277, %parallel_loop3A_278 : i32
      %parallel_loop3A_280 = arith.addi %mul3A_69, %parallel_loop3A_279 : i32
      %parallel_loop3A_281 = arith.index_cast %parallel_loop3A_280 : i32 to index
      %parallel_loop3A_282 = tpu.vector_load %arg10[%parallel_loop3A_281] {strides = array<i32>} : memref<22528xf32, #tpu.memory_space<vmem>>, vector<16xf32>,
      %parallel_loop3A_283 = arith.constant 16 : i32
      %parallel_loop3A_284 = arith.muli %parallel_loop3A_277, %parallel_loop3A_283 : i32
      %parallel_loop3A_285 = arith.index_cast %parallel_loop3A_284 : i32 to index
      %parallel_loop3A_286 = tpu.vector_load %arg11[%parallel_loop3A_285] {strides = array<i32>} : memref<1408xf32, #tpu.memory_space<vmem>>, vector<16xf32>,
      %parallel_loop3A_287 = arith.addf %parallel_loop3A_282, %parallel_loop3A_286 : vector<16xf32>
      %parallel_loop3A_288 = arith.index_cast %parallel_loop3A_280 : i32 to index
      %parallel_loop3A_289 = tpu.vector_load %arg10[%parallel_loop3A_288] {strides = array<i32>} : memref<22528xf32, #tpu.memory_space<vmem>>, vector<16xf32>,
      tpu.vector_store %arg10[%parallel_loop3A_288], %parallel_loop3A_287 {strides = array<i32>} : memref<22528xf32, #tpu.memory_space<vmem>>, vector<16xf32>,
    } {sc.loop_unroll_factor = 8 : i64, sc.parallel_access}
    %dma_start3A_201 = arith.constant 12 : i32
    %dma_start3A_202 = tpu.memref_slice %arg15[%dma_start3A_201, %mul3A_69] : memref<16x22528xf32, #tpu.memory_space<vmem_shared>> -> memref<1x1408xf32, #tpu.memory_space<vmem_shared>>
    %dma_start3A_203 = tpu.memref_squeeze %dma_start3A_202 : memref<1x1408xf32, #tpu.memory_space<vmem_shared>> -> memref<1408xf32, #tpu.memory_space<vmem_shared>>
    %dma_start3A_204 = tpu.memref_slice %arg15[%dma_start3A_201, %mul3A_69] : memref<16x22528xf32, #tpu.memory_space<vmem_shared>> -> memref<1x1408xf32, #tpu.memory_space<vmem_shared>>
    %dma_start3A_205 = tpu.memref_squeeze %dma_start3A_204 : memref<1x1408xf32, #tpu.memory_space<vmem_shared>> -> memref<1408xf32, #tpu.memory_space<vmem_shared>>
    tpu.enqueue_dma source(%dma_start3A_205 : memref<1408xf32, #tpu.memory_space<vmem_shared>>) target(%arg11 : memref<1408xf32, #tpu.memory_space<vmem>>) target_semaphore(%arg16 : memref<!tpu.dma_semaphore, #tpu.memory_space<semaphore_mem>>)
    %dma_wait3A_206 = arith.constant 0 : i32
    %dma_wait3A_207 = tpu.memref_slice %arg15[%dma_wait3A_206, %mul3A_69] : memref<16x22528xf32, #tpu.memory_space<vmem_shared>> -> memref<1x1408xf32, #tpu.memory_space<vmem_shared>>
    %dma_wait3A_208 = tpu.memref_squeeze %dma_wait3A_207 : memref<1x1408xf32, #tpu.memory_space<vmem_shared>> -> memref<1408xf32, #tpu.memory_space<vmem_shared>>
    %dma_wait3A_209 = tpu.memref_slice %arg15[%dma_wait3A_206, %mul3A_69] : memref<16x22528xf32, #tpu.memory_space<vmem_shared>> -> memref<1x1408xf32, #tpu.memory_space<vmem_shared>>
    %dma_wait3A_210 = tpu.memref_squeeze %dma_wait3A_209 : memref<1x1408xf32, #tpu.memory_space<vmem_shared>> -> memref<1408xf32, #tpu.memory_space<vmem_shared>>
    tpu.wait_dma2 semaphore(%arg17 : memref<!tpu.dma_semaphore, #tpu.memory_space<semaphore_mem>>) src(%dma_wait3A_210 : memref<1408xf32, #tpu.memory_space<vmem_shared>>) dst(%arg12 : memref<1408xf32, #tpu.memory_space<vmem>>)
    %parallel_loop3A_211 = arith.constant 0 : i32
    %parallel_loop3A_212 = arith.constant 88 : i32
    %parallel_loop3A_213 = arith.constant 1 : i32
    scf.for %parallel_loop3A_277 = %parallel_loop3A_211 to %parallel_loop3A_212 step %parallel_loop3A_213  : i32 {
      %parallel_loop3A_278 = arith.constant 16 : i32
      %parallel_loop3A_279 = arith.muli %parallel_loop3A_277, %parallel_loop3A_278 : i32
      %parallel_loop3A_280 = arith.addi %mul3A_69, %parallel_loop3A_279 : i32
      %parallel_loop3A_281 = arith.index_cast %parallel_loop3A_280 : i32 to index
      %parallel_loop3A_282 = tpu.vector_load %arg10[%parallel_loop3A_281] {strides = array<i32>} : memref<22528xf32, #tpu.memory_space<vmem>>, vector<16xf32>,
      %parallel_loop3A_283 = arith.constant 16 : i32
      %parallel_loop3A_284 = arith.muli %parallel_loop3A_277, %parallel_loop3A_283 : i32
      %parallel_loop3A_285 = arith.index_cast %parallel_loop3A_284 : i32 to index
      %parallel_loop3A_286 = tpu.vector_load %arg12[%parallel_loop3A_285] {strides = array<i32>} : memref<1408xf32, #tpu.memory_space<vmem>>, vector<16xf32>,
      %parallel_loop3A_287 = arith.addf %parallel_loop3A_282, %parallel_loop3A_286 : vector<16xf32>
      %parallel_loop3A_288 = arith.index_cast %parallel_loop3A_280 : i32 to index
      %parallel_loop3A_289 = tpu.vector_load %arg10[%parallel_loop3A_288] {strides = array<i32>} : memref<22528xf32, #tpu.memory_space<vmem>>, vector<16xf32>,
      tpu.vector_store %arg10[%parallel_loop3A_288], %parallel_loop3A_287 {strides = array<i32>} : memref<22528xf32, #tpu.memory_space<vmem>>, vector<16xf32>,
    } {sc.loop_unroll_factor = 8 : i64, sc.parallel_access}
    %dma_start3A_214 = arith.constant 13 : i32
    %dma_start3A_215 = tpu.memref_slice %arg15[%dma_start3A_214, %mul3A_69] : memref<16x22528xf32, #tpu.memory_space<vmem_shared>> -> memref<1x1408xf32, #tpu.memory_space<vmem_shared>>
    %dma_start3A_216 = tpu.memref_squeeze %dma_start3A_215 : memref<1x1408xf32, #tpu.memory_space<vmem_shared>> -> memref<1408xf32, #tpu.memory_space<vmem_shared>>
    %dma_start3A_217 = tpu.memref_slice %arg15[%dma_start3A_214, %mul3A_69] : memref<16x22528xf32, #tpu.memory_space<vmem_shared>> -> memref<1x1408xf32, #tpu.memory_space<vmem_shared>>
    %dma_start3A_218 = tpu.memref_squeeze %dma_start3A_217 : memref<1x1408xf32, #tpu.memory_space<vmem_shared>> -> memref<1408xf32, #tpu.memory_space<vmem_shared>>
    tpu.enqueue_dma source(%dma_start3A_218 : memref<1408xf32, #tpu.memory_space<vmem_shared>>) target(%arg12 : memref<1408xf32, #tpu.memory_space<vmem>>) target_semaphore(%arg17 : memref<!tpu.dma_semaphore, #tpu.memory_space<semaphore_mem>>)
    %dma_wait3A_219 = arith.constant 0 : i32
    %dma_wait3A_220 = tpu.memref_slice %arg15[%dma_wait3A_219, %mul3A_69] : memref<16x22528xf32, #tpu.memory_space<vmem_shared>> -> memref<1x1408xf32, #tpu.memory_space<vmem_shared>>
    %dma_wait3A_221 = tpu.memref_squeeze %dma_wait3A_220 : memref<1x1408xf32, #tpu.memory_space<vmem_shared>> -> memref<1408xf32, #tpu.memory_space<vmem_shared>>
    %dma_wait3A_222 = tpu.memref_slice %arg15[%dma_wait3A_219, %mul3A_69] : memref<16x22528xf32, #tpu.memory_space<vmem_shared>> -> memref<1x1408xf32, #tpu.memory_space<vmem_shared>>
    %dma_wait3A_223 = tpu.memref_squeeze %dma_wait3A_222 : memref<1x1408xf32, #tpu.memory_space<vmem_shared>> -> memref<1408xf32, #tpu.memory_space<vmem_shared>>
    tpu.wait_dma2 semaphore(%arg18 : memref<!tpu.dma_semaphore, #tpu.memory_space<semaphore_mem>>) src(%dma_wait3A_223 : memref<1408xf32, #tpu.memory_space<vmem_shared>>) dst(%arg13 : memref<1408xf32, #tpu.memory_space<vmem>>)
    %parallel_loop3A_224 = arith.constant 0 : i32
    %parallel_loop3A_225 = arith.constant 88 : i32
    %parallel_loop3A_226 = arith.constant 1 : i32
    scf.for %parallel_loop3A_277 = %parallel_loop3A_224 to %parallel_loop3A_225 step %parallel_loop3A_226  : i32 {
      %parallel_loop3A_278 = arith.constant 16 : i32
      %parallel_loop3A_279 = arith.muli %parallel_loop3A_277, %parallel_loop3A_278 : i32
      %parallel_loop3A_280 = arith.addi %mul3A_69, %parallel_loop3A_279 : i32
      %parallel_loop3A_281 = arith.index_cast %parallel_loop3A_280 : i32 to index
      %parallel_loop3A_282 = tpu.vector_load %arg10[%parallel_loop3A_281] {strides = array<i32>} : memref<22528xf32, #tpu.memory_space<vmem>>, vector<16xf32>,
      %parallel_loop3A_283 = arith.constant 16 : i32
      %parallel_loop3A_284 = arith.muli %parallel_loop3A_277, %parallel_loop3A_283 : i32
      %parallel_loop3A_285 = arith.index_cast %parallel_loop3A_284 : i32 to index
      %parallel_loop3A_286 = tpu.vector_load %arg13[%parallel_loop3A_285] {strides = array<i32>} : memref<1408xf32, #tpu.memory_space<vmem>>, vector<16xf32>,
      %parallel_loop3A_287 = arith.addf %parallel_loop3A_282, %parallel_loop3A_286 : vector<16xf32>
      %parallel_loop3A_288 = arith.index_cast %parallel_loop3A_280 : i32 to index
      %parallel_loop3A_289 = tpu.vector_load %arg10[%parallel_loop3A_288] {strides = array<i32>} : memref<22528xf32, #tpu.memory_space<vmem>>, vector<16xf32>,
      tpu.vector_store %arg10[%parallel_loop3A_288], %parallel_loop3A_287 {strides = array<i32>} : memref<22528xf32, #tpu.memory_space<vmem>>, vector<16xf32>,
    } {sc.loop_unroll_factor = 8 : i64, sc.parallel_access}
    %dma_start3A_227 = arith.constant 14 : i32
    %dma_start3A_228 = tpu.memref_slice %arg15[%dma_start3A_227, %mul3A_69] : memref<16x22528xf32, #tpu.memory_space<vmem_shared>> -> memref<1x1408xf32, #tpu.memory_space<vmem_shared>>
    %dma_start3A_229 = tpu.memref_squeeze %dma_start3A_228 : memref<1x1408xf32, #tpu.memory_space<vmem_shared>> -> memref<1408xf32, #tpu.memory_space<vmem_shared>>
    %dma_start3A_230 = tpu.memref_slice %arg15[%dma_start3A_227, %mul3A_69] : memref<16x22528xf32, #tpu.memory_space<vmem_shared>> -> memref<1x1408xf32, #tpu.memory_space<vmem_shared>>
    %dma_start3A_231 = tpu.memref_squeeze %dma_start3A_230 : memref<1x1408xf32, #tpu.memory_space<vmem_shared>> -> memref<1408xf32, #tpu.memory_space<vmem_shared>>
    tpu.enqueue_dma source(%dma_start3A_231 : memref<1408xf32, #tpu.memory_space<vmem_shared>>) target(%arg13 : memref<1408xf32, #tpu.memory_space<vmem>>) target_semaphore(%arg18 : memref<!tpu.dma_semaphore, #tpu.memory_space<semaphore_mem>>)
    %dma_wait3A_232 = arith.constant 0 : i32
    %dma_wait3A_233 = tpu.memref_slice %arg15[%dma_wait3A_232, %mul3A_69] : memref<16x22528xf32, #tpu.memory_space<vmem_shared>> -> memref<1x1408xf32, #tpu.memory_space<vmem_shared>>
    %dma_wait3A_234 = tpu.memref_squeeze %dma_wait3A_233 : memref<1x1408xf32, #tpu.memory_space<vmem_shared>> -> memref<1408xf32, #tpu.memory_space<vmem_shared>>
    %dma_wait3A_235 = tpu.memref_slice %arg15[%dma_wait3A_232, %mul3A_69] : memref<16x22528xf32, #tpu.memory_space<vmem_shared>> -> memref<1x1408xf32, #tpu.memory_space<vmem_shared>>
    %dma_wait3A_236 = tpu.memref_squeeze %dma_wait3A_235 : memref<1x1408xf32, #tpu.memory_space<vmem_shared>> -> memref<1408xf32, #tpu.memory_space<vmem_shared>>
    tpu.wait_dma2 semaphore(%arg19 : memref<!tpu.dma_semaphore, #tpu.memory_space<semaphore_mem>>) src(%dma_wait3A_236 : memref<1408xf32, #tpu.memory_space<vmem_shared>>) dst(%arg14 : memref<1408xf32, #tpu.memory_space<vmem>>)
    %parallel_loop3A_237 = arith.constant 0 : i32
    %parallel_loop3A_238 = arith.constant 88 : i32
    %parallel_loop3A_239 = arith.constant 1 : i32
    scf.for %parallel_loop3A_277 = %parallel_loop3A_237 to %parallel_loop3A_238 step %parallel_loop3A_239  : i32 {
      %parallel_loop3A_278 = arith.constant 16 : i32
      %parallel_loop3A_279 = arith.muli %parallel_loop3A_277, %parallel_loop3A_278 : i32
      %parallel_loop3A_280 = arith.addi %mul3A_69, %parallel_loop3A_279 : i32
      %parallel_loop3A_281 = arith.index_cast %parallel_loop3A_280 : i32 to index
      %parallel_loop3A_282 = tpu.vector_load %arg10[%parallel_loop3A_281] {strides = array<i32>} : memref<22528xf32, #tpu.memory_space<vmem>>, vector<16xf32>,
      %parallel_loop3A_283 = arith.constant 16 : i32
      %parallel_loop3A_284 = arith.muli %parallel_loop3A_277, %parallel_loop3A_283 : i32
      %parallel_loop3A_285 = arith.index_cast %parallel_loop3A_284 : i32 to index
      %parallel_loop3A_286 = tpu.vector_load %arg14[%parallel_loop3A_285] {strides = array<i32>} : memref<1408xf32, #tpu.memory_space<vmem>>, vector<16xf32>,
      %parallel_loop3A_287 = arith.addf %parallel_loop3A_282, %parallel_loop3A_286 : vector<16xf32>
      %parallel_loop3A_288 = arith.index_cast %parallel_loop3A_280 : i32 to index
      %parallel_loop3A_289 = tpu.vector_load %arg10[%parallel_loop3A_288] {strides = array<i32>} : memref<22528xf32, #tpu.memory_space<vmem>>, vector<16xf32>,
      tpu.vector_store %arg10[%parallel_loop3A_288], %parallel_loop3A_287 {strides = array<i32>} : memref<22528xf32, #tpu.memory_space<vmem>>, vector<16xf32>,
    } {sc.loop_unroll_factor = 8 : i64, sc.parallel_access}
    %dma_start3A_240 = arith.constant 15 : i32
    %dma_start3A_241 = tpu.memref_slice %arg15[%dma_start3A_240, %mul3A_69] : memref<16x22528xf32, #tpu.memory_space<vmem_shared>> -> memref<1x1408xf32, #tpu.memory_space<vmem_shared>>
    %dma_start3A_242 = tpu.memref_squeeze %dma_start3A_241 : memref<1x1408xf32, #tpu.memory_space<vmem_shared>> -> memref<1408xf32, #tpu.memory_space<vmem_shared>>
    %dma_start3A_243 = tpu.memref_slice %arg15[%dma_start3A_240, %mul3A_69] : memref<16x22528xf32, #tpu.memory_space<vmem_shared>> -> memref<1x1408xf32, #tpu.memory_space<vmem_shared>>
    %dma_start3A_244 = tpu.memref_squeeze %dma_start3A_243 : memref<1x1408xf32, #tpu.memory_space<vmem_shared>> -> memref<1408xf32, #tpu.memory_space<vmem_shared>>
    tpu.enqueue_dma source(%dma_start3A_244 : memref<1408xf32, #tpu.memory_space<vmem_shared>>) target(%arg14 : memref<1408xf32, #tpu.memory_space<vmem>>) target_semaphore(%arg19 : memref<!tpu.dma_semaphore, #tpu.memory_space<semaphore_mem>>)
    %dma_wait3A_245 = arith.constant 0 : i32
    %dma_wait3A_246 = tpu.memref_slice %arg15[%dma_wait3A_245, %mul3A_69] : memref<16x22528xf32, #tpu.memory_space<vmem_shared>> -> memref<1x1408xf32, #tpu.memory_space<vmem_shared>>
    %dma_wait3A_247 = tpu.memref_squeeze %dma_wait3A_246 : memref<1x1408xf32, #tpu.memory_space<vmem_shared>> -> memref<1408xf32, #tpu.memory_space<vmem_shared>>
    %dma_wait3A_248 = tpu.memref_slice %arg15[%dma_wait3A_245, %mul3A_69] : memref<16x22528xf32, #tpu.memory_space<vmem_shared>> -> memref<1x1408xf32, #tpu.memory_space<vmem_shared>>
    %dma_wait3A_249 = tpu.memref_squeeze %dma_wait3A_248 : memref<1x1408xf32, #tpu.memory_space<vmem_shared>> -> memref<1408xf32, #tpu.memory_space<vmem_shared>>
    tpu.wait_dma2 semaphore(%arg16 : memref<!tpu.dma_semaphore, #tpu.memory_space<semaphore_mem>>) src(%dma_wait3A_249 : memref<1408xf32, #tpu.memory_space<vmem_shared>>) dst(%arg11 : memref<1408xf32, #tpu.memory_space<vmem>>)
    %parallel_loop3A_250 = arith.constant 0 : i32
    %parallel_loop3A_251 = arith.constant 88 : i32
    %parallel_loop3A_252 = arith.constant 1 : i32
    scf.for %parallel_loop3A_277 = %parallel_loop3A_250 to %parallel_loop3A_251 step %parallel_loop3A_252  : i32 {
      %parallel_loop3A_278 = arith.constant 16 : i32
      %parallel_loop3A_279 = arith.muli %parallel_loop3A_277, %parallel_loop3A_278 : i32
      %parallel_loop3A_280 = arith.addi %mul3A_69, %parallel_loop3A_279 : i32
      %parallel_loop3A_281 = arith.index_cast %parallel_loop3A_280 : i32 to index
      %parallel_loop3A_282 = tpu.vector_load %arg10[%parallel_loop3A_281] {strides = array<i32>} : memref<22528xf32, #tpu.memory_space<vmem>>, vector<16xf32>,
      %parallel_loop3A_283 = arith.constant 16 : i32
      %parallel_loop3A_284 = arith.muli %parallel_loop3A_277, %parallel_loop3A_283 : i32
      %parallel_loop3A_285 = arith.index_cast %parallel_loop3A_284 : i32 to index
      %parallel_loop3A_286 = tpu.vector_load %arg11[%parallel_loop3A_285] {strides = array<i32>} : memref<1408xf32, #tpu.memory_space<vmem>>, vector<16xf32>,
      %parallel_loop3A_287 = arith.addf %parallel_loop3A_282, %parallel_loop3A_286 : vector<16xf32>
      %parallel_loop3A_288 = arith.index_cast %parallel_loop3A_280 : i32 to index
      %parallel_loop3A_289 = tpu.vector_load %arg10[%parallel_loop3A_288] {strides = array<i32>} : memref<22528xf32, #tpu.memory_space<vmem>>, vector<16xf32>,
      tpu.vector_store %arg10[%parallel_loop3A_288], %parallel_loop3A_287 {strides = array<i32>} : memref<22528xf32, #tpu.memory_space<vmem>>, vector<16xf32>,
    } {sc.loop_unroll_factor = 8 : i64, sc.parallel_access}
    %dma_wait3A_253 = arith.constant 0 : i32
    %dma_wait3A_254 = tpu.memref_slice %arg15[%dma_wait3A_253, %mul3A_69] : memref<16x22528xf32, #tpu.memory_space<vmem_shared>> -> memref<1x1408xf32, #tpu.memory_space<vmem_shared>>
    %dma_wait3A_255 = tpu.memref_squeeze %dma_wait3A_254 : memref<1x1408xf32, #tpu.memory_space<vmem_shared>> -> memref<1408xf32, #tpu.memory_space<vmem_shared>>
    %dma_wait3A_256 = tpu.memref_slice %arg15[%dma_wait3A_253, %mul3A_69] : memref<16x22528xf32, #tpu.memory_space<vmem_shared>> -> memref<1x1408xf32, #tpu.memory_space<vmem_shared>>
    %dma_wait3A_257 = tpu.memref_squeeze %dma_wait3A_256 : memref<1x1408xf32, #tpu.memory_space<vmem_shared>> -> memref<1408xf32, #tpu.memory_space<vmem_shared>>
    tpu.wait_dma2 semaphore(%arg17 : memref<!tpu.dma_semaphore, #tpu.memory_space<semaphore_mem>>) src(%dma_wait3A_257 : memref<1408xf32, #tpu.memory_space<vmem_shared>>) dst(%arg12 : memref<1408xf32, #tpu.memory_space<vmem>>)
    %parallel_loop3A_258 = arith.constant 0 : i32
    %parallel_loop3A_259 = arith.constant 88 : i32
    %parallel_loop3A_260 = arith.constant 1 : i32
    scf.for %parallel_loop3A_277 = %parallel_loop3A_258 to %parallel_loop3A_259 step %parallel_loop3A_260  : i32 {
      %parallel_loop3A_278 = arith.constant 16 : i32
      %parallel_loop3A_279 = arith.muli %parallel_loop3A_277, %parallel_loop3A_278 : i32
      %parallel_loop3A_280 = arith.addi %mul3A_69, %parallel_loop3A_279 : i32
      %parallel_loop3A_281 = arith.index_cast %parallel_loop3A_280 : i32 to index
      %parallel_loop3A_282 = tpu.vector_load %arg10[%parallel_loop3A_281] {strides = array<i32>} : memref<22528xf32, #tpu.memory_space<vmem>>, vector<16xf32>,
      %parallel_loop3A_283 = arith.constant 16 : i32
      %parallel_loop3A_284 = arith.muli %parallel_loop3A_277, %parallel_loop3A_283 : i32
      %parallel_loop3A_285 = arith.index_cast %parallel_loop3A_284 : i32 to index
      %parallel_loop3A_286 = tpu.vector_load %arg12[%parallel_loop3A_285] {strides = array<i32>} : memref<1408xf32, #tpu.memory_space<vmem>>, vector<16xf32>,
      %parallel_loop3A_287 = arith.addf %parallel_loop3A_282, %parallel_loop3A_286 : vector<16xf32>
      %parallel_loop3A_288 = arith.index_cast %parallel_loop3A_280 : i32 to index
      %parallel_loop3A_289 = tpu.vector_load %arg10[%parallel_loop3A_288] {strides = array<i32>} : memref<22528xf32, #tpu.memory_space<vmem>>, vector<16xf32>,
      tpu.vector_store %arg10[%parallel_loop3A_288], %parallel_loop3A_287 {strides = array<i32>} : memref<22528xf32, #tpu.memory_space<vmem>>, vector<16xf32>,
    } {sc.loop_unroll_factor = 8 : i64, sc.parallel_access}
    %dma_wait3A_261 = arith.constant 0 : i32
    %dma_wait3A_262 = tpu.memref_slice %arg15[%dma_wait3A_261, %mul3A_69] : memref<16x22528xf32, #tpu.memory_space<vmem_shared>> -> memref<1x1408xf32, #tpu.memory_space<vmem_shared>>
    %dma_wait3A_263 = tpu.memref_squeeze %dma_wait3A_262 : memref<1x1408xf32, #tpu.memory_space<vmem_shared>> -> memref<1408xf32, #tpu.memory_space<vmem_shared>>
    %dma_wait3A_264 = tpu.memref_slice %arg15[%dma_wait3A_261, %mul3A_69] : memref<16x22528xf32, #tpu.memory_space<vmem_shared>> -> memref<1x1408xf32, #tpu.memory_space<vmem_shared>>
    %dma_wait3A_265 = tpu.memref_squeeze %dma_wait3A_264 : memref<1x1408xf32, #tpu.memory_space<vmem_shared>> -> memref<1408xf32, #tpu.memory_space<vmem_shared>>
    tpu.wait_dma2 semaphore(%arg18 : memref<!tpu.dma_semaphore, #tpu.memory_space<semaphore_mem>>) src(%dma_wait3A_265 : memref<1408xf32, #tpu.memory_space<vmem_shared>>) dst(%arg13 : memref<1408xf32, #tpu.memory_space<vmem>>)
    %parallel_loop3A_266 = arith.constant 0 : i32
    %parallel_loop3A_267 = arith.constant 88 : i32
    %parallel_loop3A_268 = arith.constant 1 : i32
    scf.for %parallel_loop3A_277 = %parallel_loop3A_266 to %parallel_loop3A_267 step %parallel_loop3A_268  : i32 {
      %parallel_loop3A_278 = arith.constant 16 : i32
      %parallel_loop3A_279 = arith.muli %parallel_loop3A_277, %parallel_loop3A_278 : i32
      %parallel_loop3A_280 = arith.addi %mul3A_69, %parallel_loop3A_279 : i32
      %parallel_loop3A_281 = arith.index_cast %parallel_loop3A_280 : i32 to index
      %parallel_loop3A_282 = tpu.vector_load %arg10[%parallel_loop3A_281] {strides = array<i32>} : memref<22528xf32, #tpu.memory_space<vmem>>, vector<16xf32>,
      %parallel_loop3A_283 = arith.constant 16 : i32
      %parallel_loop3A_284 = arith.muli %parallel_loop3A_277, %parallel_loop3A_283 : i32
      %parallel_loop3A_285 = arith.index_cast %parallel_loop3A_284 : i32 to index
      %parallel_loop3A_286 = tpu.vector_load %arg13[%parallel_loop3A_285] {strides = array<i32>} : memref<1408xf32, #tpu.memory_space<vmem>>, vector<16xf32>,
      %parallel_loop3A_287 = arith.addf %parallel_loop3A_282, %parallel_loop3A_286 : vector<16xf32>
      %parallel_loop3A_288 = arith.index_cast %parallel_loop3A_280 : i32 to index
      %parallel_loop3A_289 = tpu.vector_load %arg10[%parallel_loop3A_288] {strides = array<i32>} : memref<22528xf32, #tpu.memory_space<vmem>>, vector<16xf32>,
      tpu.vector_store %arg10[%parallel_loop3A_288], %parallel_loop3A_287 {strides = array<i32>} : memref<22528xf32, #tpu.memory_space<vmem>>, vector<16xf32>,
    } {sc.loop_unroll_factor = 8 : i64, sc.parallel_access}
    %dma_wait3A_269 = arith.constant 0 : i32
    %dma_wait3A_270 = tpu.memref_slice %arg15[%dma_wait3A_269, %mul3A_69] : memref<16x22528xf32, #tpu.memory_space<vmem_shared>> -> memref<1x1408xf32, #tpu.memory_space<vmem_shared>>
    %dma_wait3A_271 = tpu.memref_squeeze %dma_wait3A_270 : memref<1x1408xf32, #tpu.memory_space<vmem_shared>> -> memref<1408xf32, #tpu.memory_space<vmem_shared>>
    %dma_wait3A_272 = tpu.memref_slice %arg15[%dma_wait3A_269, %mul3A_69] : memref<16x22528xf32, #tpu.memory_space<vmem_shared>> -> memref<1x1408xf32, #tpu.memory_space<vmem_shared>>
    %dma_wait3A_273 = tpu.memref_squeeze %dma_wait3A_272 : memref<1x1408xf32, #tpu.memory_space<vmem_shared>> -> memref<1408xf32, #tpu.memory_space<vmem_shared>>
    tpu.wait_dma2 semaphore(%arg19 : memref<!tpu.dma_semaphore, #tpu.memory_space<semaphore_mem>>) src(%dma_wait3A_273 : memref<1408xf32, #tpu.memory_space<vmem_shared>>) dst(%arg14 : memref<1408xf32, #tpu.memory_space<vmem>>)
    %parallel_loop3A_274 = arith.constant 0 : i32
    %parallel_loop3A_275 = arith.constant 88 : i32
    %parallel_loop3A_276 = arith.constant 1 : i32
    scf.for %parallel_loop3A_277 = %parallel_loop3A_274 to %parallel_loop3A_275 step %parallel_loop3A_276  : i32 {
      %parallel_loop3A_278 = arith.constant 16 : i32
      %parallel_loop3A_279 = arith.muli %parallel_loop3A_277, %parallel_loop3A_278 : i32
      %parallel_loop3A_280 = arith.addi %mul3A_69, %parallel_loop3A_279 : i32
      %parallel_loop3A_281 = arith.index_cast %parallel_loop3A_280 : i32 to index
      %parallel_loop3A_282 = tpu.vector_load %arg10[%parallel_loop3A_281] {strides = array<i32>} : memref<22528xf32, #tpu.memory_space<vmem>>, vector<16xf32>,
      %parallel_loop3A_283 = arith.constant 16 : i32
      %parallel_loop3A_284 = arith.muli %parallel_loop3A_277, %parallel_loop3A_283 : i32
      %parallel_loop3A_285 = arith.index_cast %parallel_loop3A_284 : i32 to index
      %parallel_loop3A_286 = tpu.vector_load %arg14[%parallel_loop3A_285] {strides = array<i32>} : memref<1408xf32, #tpu.memory_space<vmem>>, vector<16xf32>,
      %parallel_loop3A_287 = arith.addf %parallel_loop3A_282, %parallel_loop3A_286 : vector<16xf32>
      %parallel_loop3A_288 = arith.index_cast %parallel_loop3A_280 : i32 to index
      %parallel_loop3A_289 = tpu.vector_load %arg10[%parallel_loop3A_288] {strides = array<i32>} : memref<22528xf32, #tpu.memory_space<vmem>>, vector<16xf32>,
      tpu.vector_store %arg10[%parallel_loop3A_288], %parallel_loop3A_287 {strides = array<i32>} : memref<22528xf32, #tpu.memory_space<vmem>>, vector<16xf32>,
    } {sc.loop_unroll_factor = 8 : i64, sc.parallel_access}
    "tpu.region"() ({
      %run_scoped3A = tpu.sem_alloc : memref<!tpu.dma_semaphore, #tpu.memory_space<semaphore_mem>>
      %dma_start3A_277 = tpu.memref_slice %arg10[%mul3A_69] : memref<22528xf32, #tpu.memory_space<vmem>> -> memref<1408xf32, #tpu.memory_space<vmem>>
      %dma_start3A_278 = tpu.memref_slice %arg5[%arg0, %mul3A_69] : memref<2x22528xf32, #tpu.memory_space<hbm>> -> memref<1x1408xf32, #tpu.memory_space<hbm>>
      %dma_start3A_279 = tpu.memref_squeeze %dma_start3A_278 : memref<1x1408xf32, #tpu.memory_space<hbm>> -> memref<1408xf32, #tpu.memory_space<hbm>>
      %dma_start3A_280 = tpu.memref_slice %arg5[%arg0, %mul3A_69] : memref<2x22528xf32, #tpu.memory_space<hbm>> -> memref<1x1408xf32, #tpu.memory_space<hbm>>
      %dma_start3A_281 = tpu.memref_squeeze %dma_start3A_280 : memref<1x1408xf32, #tpu.memory_space<hbm>> -> memref<1408xf32, #tpu.memory_space<hbm>>
      %dma_start3A_282 = tpu.memref_slice %arg10[%mul3A_69] : memref<22528xf32, #tpu.memory_space<vmem>> -> memref<1408xf32, #tpu.memory_space<vmem>>
      tpu.enqueue_dma source(%dma_start3A_282 : memref<1408xf32, #tpu.memory_space<vmem>>) target(%dma_start3A_281 : memref<1408xf32, #tpu.memory_space<hbm>>) target_semaphore(%run_scoped3A : memref<!tpu.dma_semaphore, #tpu.memory_space<semaphore_mem>>)
      %dma_wait3A_283 = tpu.memref_slice %arg10[%mul3A_69] : memref<22528xf32, #tpu.memory_space<vmem>> -> memref<1408xf32, #tpu.memory_space<vmem>>
      %dma_wait3A_284 = tpu.memref_slice %arg5[%arg0, %mul3A_69] : memref<2x22528xf32, #tpu.memory_space<hbm>> -> memref<1x1408xf32, #tpu.memory_space<hbm>>
      %dma_wait3A_285 = tpu.memref_squeeze %dma_wait3A_284 : memref<1x1408xf32, #tpu.memory_space<hbm>> -> memref<1408xf32, #tpu.memory_space<hbm>>
      %dma_wait3A_286 = tpu.memref_slice %arg5[%arg0, %mul3A_69] : memref<2x22528xf32, #tpu.memory_space<hbm>> -> memref<1x1408xf32, #tpu.memory_space<hbm>>
      %dma_wait3A_287 = tpu.memref_squeeze %dma_wait3A_286 : memref<1x1408xf32, #tpu.memory_space<hbm>> -> memref<1408xf32, #tpu.memory_space<hbm>>
      %dma_wait3A_288 = tpu.memref_slice %arg10[%mul3A_69] : memref<22528xf32, #tpu.memory_space<vmem>> -> memref<1408xf32, #tpu.memory_space<vmem>>
      tpu.wait_dma2 semaphore(%run_scoped3A : memref<!tpu.dma_semaphore, #tpu.memory_space<semaphore_mem>>) src(%dma_wait3A_288 : memref<1408xf32, #tpu.memory_space<vmem>>) dst(%dma_wait3A_287 : memref<1408xf32, #tpu.memory_space<hbm>>)
      tpu.yield
    }) : () -> ()
    return
  }
}

</mosaic_0001>

<sc_bundles>
// kernel: kernel.3.cloned.1.call-start
scs
__scs_entry_jumppad:
0x0: {  	(pc) =	sbr.rel $0x88, $3  }
0x1: {  	(tag) =	ssettag $0x0;
	lr =	simm.s32 $0x1  }
0x2: {  	[smem:$0x3F9F] =	sst lr;
	_ =	strace $0xD0000000  }
0x3: {  	_ = 	snop  }
0x4: {  	_ = 	snop  }
0x5: {  	_ = 	snop  }
0x6: {  	_ = 	snop  }
0x7: {  	_ = 	snop  }
__scs_overlays_trampoline_lowered:
0x8: {  	[smem:$0x3FAE] =	sst s0  }
0x9: {  	[smem:$0x3FAF] =	sst s1  }
0xa: {  	[smem:$0x3FB0] =	sst s2  }
0xb: {  	[smem:$0x3FB1] =	sst s3  }
0xc: {  	[smem:$0x3FB2] =	sst s4  }
0xd: {  	[smem:$0x3FB3] =	sst s5  }
0xe: {  	[smem:$0x3FB4] =	sst s6  }
0xf: {  	[smem:$0x3FB5] =	sst s7  }
0x10: {  	[smem:$0x3FB6] =	sst s8  }
0x11: {  	[smem:$0x3FB7] =	sst s9;
	s0 =	simm.s32 @!p0 $0x0  }
0x12: {  	s1 =	sld [smem:$0x3F9D];
	s0 =	simm.s32 @p0 $0x1  }
0x13: {  	[smem:$0x3FB8] =	sst s0;
	s0 =	simm.s32 @!p1 $0x0  }
0x14: {  	s2 =	sld [smem:$0x3F9C];
	s0 =	simm.s32 @p1 $0x1  }
0x15: {  	[smem:$0x3FB9] =	sst s0;
	s0 =	simm.s32 @!p2 $0x0  }
0x16: {  	s3 =	sld [smem:$0x3FDB];
	s0 =	simm.s32 @p2 $0x1  }
0x17: {  	s4 =	simm.s32 $0x1BF5;
	[smem:$0x3FBB] =	sst s0  }
0x18: {  	s0 =	sld [smem:$0x3F9E];
	_ =	swait.ge [sflag:s4], $0x0  }
0x19: {  	s7 =	sld [smem:$0x3F9F]  }
0x1a: {  	s8 =	sadd.s32 $0xFFFFE003, lr  }
0x1b: {  	s9 =	sadd.s32 $0xFFFFFEF7, lr;
	s5 =	simm.s32 $0xFFFFFFFF;
	p2 =	slt.u32 s8, $0xFFFFF086  }
0x1c: {  	p1 =	slt.u32 s9, $0xF7A;
	s5 =	simm.s32 @!p2 $0x0  }
0x1d: {  	s5 =	simm.s32 @p1 $0x1;
	p0 =	seq.s32 s7, s2  }
0x1e: {  	s7 =	smul.u32 @!p0 $0xF7A, s2;
	p2 =	seq.s32 @!p0 s5, $0x0  }
0x1f: {  	s9 =	smul.u32 $0xF7A, s1;
	s8 =	simm.s32 @!p0 $0x1BF5;
	p2 =	por !p2, p0  }
0x20: {  	[sflag:s8] =	ssyncset.s32 @!p0 $0xFFFFF086;
	s6 =	sadd.s32 @!p0 s3, s7;
	s7 =	simm.s32 @!p0 $0x108  }
0x21: {  	s3 =	sadd.s32 s3, s9;
	s6 =	sadd.s32 @!p0 $0x88, s6;
	s7 =	simm.s32 @p2 $0x1082  }
0x22: {  	[simem:s7], [sflag:s8] =	dma.local @!p0 [hbm:s6], $0xF7A  }
0x23: {  	s9 =	sor.u32 $0xD0000000, s2;
	s6 =	simm.s32 $0x108;
	_ =	swait.ge @!p0 [sflag:s8], $0x0  }
0x24: {  	s3 =	sadd.s32 $0x88, s3;
	s6 =	simm.s32 @!p1 $0x1082;
	[sflag:s4] =	ssyncset.s32 $0xFFFFF086  }
0x25: {  	[simem:s6], [sflag:s4] =	dma.local [hbm:s3], $0xF7A  }
0x26: {  	[smem:$0x3F9F] =	sst s1;
	(tag) =	ssettag s2;
	_ =	strace s9  }
0x27: {  	s1 =	sld [smem:$0x3FAF]  }
0x28: {  	s2 =	sld [smem:$0x3FB0]  }
0x29: {  	s4 =	sld [smem:$0x3FB2]  }
0x2a: {  	p0 =	seq.s32 s5, $0x0;
	s5 =	sld [smem:$0x3FB3]  }
0x2b: {  	s6 =	sld [smem:$0x3FB4]  }
0x2c: {  	s7 =	sld [smem:$0x3FB5]  }
0x2d: {  	s3 =	simm.s32 $0x108;
	s8 =	sld [smem:$0x3FB6]  }
0x2e: {  	s3 =	simm.s32 @!p0 $0x1082;
	s9 =	sld [smem:$0x3FB7]  }
0x2f: {  	lr =	sadd.s32 s0, s3;
	s0 =	sld [smem:$0x3FAE]  }
0x30: {  	s3 =	sld [smem:$0x3FB1]  }
0x31: {  	[smem:$0x3FBA] =	sst s10  }
0x32: {  	s10 =	sld [smem:$0x3FB8];
	_ =	sdelay $0x3  }
0x33: {  	p0 =	seq.s32 s10, $0x1;
	s10 =	sld [smem:$0x3FBA];
	_ =	sdelay $0x3  }
0x34: {  	[smem:$0x3FBA] =	sst s10  }
0x35: {  	s10 =	sld [smem:$0x3FB9];
	_ =	sdelay $0x3  }
0x36: {  	p1 =	seq.s32 s10, $0x1;
	s10 =	sld [smem:$0x3FBA];
	_ =	sdelay $0x3  }
0x37: {  	[smem:$0x3FBA] =	sst s10  }
0x38: {  	s10 =	sld [smem:$0x3FBB]  }
0x39: {  	_ = 	snop;
	(pc) =	sbr.ind lr, $3  }
0x3a: {  	_ = 	snop  }
0x3b: {  	_ = 	snop  }
0x3c: {  	p2 =	seq.s32 s10, $0x1;
	s10 =	sld [smem:$0x3FBA]  }
0x3d: {  	_ =	shalt  }
0x3e: {  	_ =	shalt  }
0x3f: {  	_ =	shalt  }
0x40: {  	_ =	shalt  }
0x41: {  	_ =	shalt  }
0x42: {  	_ =	shalt  }
0x43: {  	_ =	shalt  }
0x44: {  	_ =	shalt  }
0x45: {  	_ =	shalt  }
0x46: {  	_ =	shalt  }
0x47: {  	_ =	shalt  }
0x48: {  	_ =	shalt  }
0x49: {  	_ =	shalt  }
0x4a: {  	_ =	shalt  }
0x4b: {  	_ =	shalt  }
0x4c: {  	_ =	shalt  }
0x4d: {  	_ =	shalt  }
0x4e: {  	_ =	shalt  }
0x4f: {  	_ =	shalt  }
0x50: {  	_ =	shalt  }
0x51: {  	_ =	shalt  }
0x52: {  	_ =	shalt  }
0x53: {  	_ =	shalt  }
0x54: {  	_ =	shalt  }
0x55: {  	_ =	shalt  }
0x56: {  	_ =	shalt  }
0x57: {  	_ =	shalt  }
0x58: {  	_ =	shalt  }
0x59: {  	_ =	shalt  }
0x5a: {  	_ =	shalt  }
0x5b: {  	_ =	shalt  }
0x5c: {  	_ =	shalt  }
0x5d: {  	_ =	shalt  }
0x5e: {  	_ =	shalt  }
0x5f: {  	_ =	shalt  }
0x60: {  	_ =	shalt  }
0x61: {  	_ =	shalt  }
0x62: {  	_ =	shalt  }
0x63: {  	_ =	shalt  }
0x64: {  	_ =	shalt  }
0x65: {  	_ =	shalt  }
0x66: {  	_ =	shalt  }
0x67: {  	_ =	shalt  }
0x68: {  	_ =	shalt  }
0x69: {  	_ =	shalt  }
0x6a: {  	_ =	shalt  }
0x6b: {  	_ =	shalt  }
0x6c: {  	_ =	shalt  }
0x6d: {  	_ =	shalt  }
0x6e: {  	_ =	shalt  }
0x6f: {  	_ =	shalt  }
0x70: {  	_ =	shalt  }
0x71: {  	_ =	shalt  }
0x72: {  	_ =	shalt  }
0x73: {  	_ =	shalt  }
0x74: {  	_ =	shalt  }
0x75: {  	_ =	shalt  }
0x76: {  	_ =	shalt  }
0x77: {  	_ =	shalt  }
0x78: {  	_ =	shalt  }
0x79: {  	_ =	shalt  }
0x7a: {  	_ =	shalt  }
0x7b: {  	_ =	shalt  }
0x7c: {  	_ =	shalt  }
0x7d: {  	_ =	shalt  }
0x7e: {  	_ =	shalt  }
0x7f: {  	_ =	shalt  }
0x80: {  	_ =	shalt  }
0x81: {  	_ =	shalt  }
0x82: {  	_ =	shalt  }
0x83: {  	_ =	shalt  }
0x84: {  	_ =	shalt  }
0x85: {  	_ =	shalt  }
0x86: {  	_ =	shalt  }
0x87: {  	_ =	shalt  }
.Lfunc_end0:
.L_simem_size_0:
called_computation_lowered:
.L_overlay_start_0:
0x88: {  	s2 =	sld [smem:$0x3FD9]  }
0x89: {  	s3 =	sld [smem:$0x3FFE];
	_ =	sdelay $0x1  }
0x8a: {  	s1 =	srdreg.scid  }
0x8b: {  	s0 =	sand.u32 $0x1, s1  }
0x8c: {  	s17 =	sshll.u32 s0, $0xA;
	s2 =	sadd.s32 s3, s2  }
0x8d: {  	s2 =	sadd.s32 s2, s17  }
0x8e: {  	[smem:$0x3FC6] =	sst s2  }
0x8f: {  	_ = 	snop  }
0x90: {  	s2 =	sld [smem:$0x3FC9]  }
0x91: {  	s18 =	sld [smem:$0x3FC8]  }
0x92: {  	s4 =	sld [smem:$0x3FD0];
	(tm) =	ssettm $0x1  }
0x93: {  	s5 =	sld [smem:$0x3FFB];
	_ =	sdelay $0x3  }
0x94: {  	_ =	strace s5  }
0x95: {  	s5 =	sld [smem:$0x3FFC];
	_ =	sdelay $0x3  }
0x96: {  	_ =	strace s5  }
0x97: {  	s5 =	sld [smem:$0x3FFD];
	_ =	sdelay $0x3  }
0x98: {  	_ =	strace s5  }
0x99: {  	_ =	strace $0x8FFFFFFF  }
0x9a: {  	s19 =	sld [smem:$0x3FDB];
	_ =	sdelay $0x1  }
0x9b: {  	s6 =	simm.s32 $_scs_section_size  }
0x9c: {  	s7 =	simm.s32 $_size__tile_overlayer_lowered;
	s8 =	simm.s32 $_tile_overlayer_lowered  }
0x9d: {  	s22 =	simm.s32 $0x1BFF;
	s21 =	sshll.u32 s8, $0x1;
	s5 =	sadd.s32 s6, s19  }
0x9e: {  	s9 =	simm.s32 $0x0;
	s20 =	sshll.u32 s7, $0x1;
	s7 =	sadd.s32 s21, s5  }
0x9f: {  	[timem:s9], [sflag:s22] =	dma.local [hbm:s7], s20  }
0xa0: {  	_ =	swait.ge [sflag:s22], s20  }
0xa1: {  	s6 =	ssub.s32 $0x0, s20;
	[sflag:s22] =	ssyncset.done $0x0  }
0xa2: {  	[sflag:s22] =	ssyncadd.s32 s6;
	_ =	sdelay $0x1  }
0xa3: {  	s23 =	simm.s32 $0x1B8B  }
0xa4: {  	_ =	swait.ge [sflag:s23], $0x1  }
0xa5: {  	[sflag:s23] =	ssyncset.done $0x0  }
0xa6: {  	s25 =	simm.s32 $0x1B8E;
	s24 =	sld [smem:$0x3FFE];
	[sflag:s23] =	ssyncadd.s32 $0xFFFFFFFF  }
0xa7: {  	s26 =	simm.s32 $execute0_lowered;
	[smem:$0x3FD2] =	sst s25  }
0xa8: {  	s7 =	sshll.u32 s26, $0x1;
	_ =	strace $0x80000046;
	[dreg:$0x1] =	wrdreg $0xFFFFFFFF  }
0xa9: {  	s28 =	simm.s32 $_size_execute0_lowered;
	s5 =	sadd.s32 s5, s7;
	[dreg:$0x0] =	wrdreg $0x0  }
0xaa: {  	s7 =	sshll.u32 s28, $0x1;
	[dreg:$0x2] =	wrdreg s5  }
0xab: {  	[dreg:$0x3] =	wrdreg s7  }
0xac: {  	[dreg:$0x4] =	wrdreg $0xC0  }
0xad: {  	_ =	task [dreg:s9], $0x5FFFF  }
0xae: {  	[dreg:$0x1] =	wrdreg $0xFFFFFFFF  }
0xaf: {  	[dreg:$0x0] =	wrdreg $0x60  }
0xb0: {  	[dreg:$0x2] =	wrdreg s2  }
0xb1: {  	[dreg:$0x3] =	wrdreg s18  }
0xb2: {  	[dreg:$0x4] =	wrdreg s4  }
0xb3: {  	[dreg:$0x5] =	wrdreg s24  }
0xb4: {  	[dreg:$0x6] =	wrdreg $0x16E000  }
0xb5: {  	[dreg:$0x7] =	wrdreg $0x9  }
0xb6: {  	_ =	task.clear_ibuf [dreg:s9], $0x8FFFF;
	_ =	strace $0x90000046  }
0xb7: {  	s29 =	simm.s32 $0x9;
	_ =	strace $0x80000048  }
0xb8: {  	_ =	swait.ge [sflag:s29], $0x1  }
0xb9: {  	[sflag:s29] =	ssyncadd.s32 $0xFFFFFFFF  }
0xba: {  	_ =	strace $0x90000048  }
0xbb: {  	_ =	sfence  }
0xbc: {  	s30 =	sld [smem:$0x0];
	_ =	sdelay $0x2  }
0xbd: {  	s31 =	sshll.u32 s1, $0xD;
	s1 =	sshrl.u32 s1, $0x2  }
0xbe: {  	s3 =	sand.u32 $0x4000, s31;
	s1 =	sadd.s32 s1, s30  }
0xbf: {  	s0 =	sor.u32 s3, s0;
	s1 =	sshll.u32 s1, $0x11  }
0xc0: {  	s0 =	sor.u32 s1, s0  }
0xc1: {  	s0 =	sadd.s32 $0x8F2B, s0  }
0xc2: {  	[sflag:s0] =	ssyncadd.remote.s32 $0x1  }
0xc3: {  	_ =	sfence.sel $0xFFFF  }
0xc4: {  	[dreg:$0x0] =	wrdreg $0xFFFFFFFF;
	(pc) =	sbr.abs _section_cstart, $3  }
0xc5: {  	[dreg:$0x1] =	wrdreg $0xFFFFFFFF  }
0xc6: {  	_ =	task.clear_ibuf [dreg:s9], $0x2FFFF;
	_ =	strace $0x9FFFFFFF  }
0xc7: {  	(tm) =	ssettm $0x7FFFFFFF  }
tec
execute0_lowered:
.L_overlay_start_1:
0x0: {  	(tag) =	ssettag $0x1  }
0x1: {  	s0 =	rddreg [dreg:$0x0]  }
0x2: {  	s2 =	rddreg [dreg:$0x1]  }
0x3: {  	s1 =	srdreg.scid;
	s3 =	rddreg [dreg:$0x3]  }
0x4: {  	s14 =	stileid.u32;
	s4 =	rddreg [dreg:$0x4];
	s8 =	simm.s32 $0x1  }
0x5: {  	s1 =	sand.u32 $0x1, s1;
	s6 =	smul.u32 $0xB00, s14;
	s11 =	sshrl.u32 s14, $0x3  }
0x6: {  	s29 =	sshll.u32 s14, $0x7;
	s13 =	smul.u32 $0xB000, s14;
	s5 =	sor.u32 s1, s14  }
0x7: {  	p1 =	seq.s32 s1, $0x1;
	s7 =	sshll.u32 s1, $0x7;
	s26 =	ssub.s32 $0x2, s1  }
0x8: {  	s1 =	sshll.u32 s1, $0x11;
	s11 =	smul.u32 $0xB0000, s11;
	s30 =	sand.u32 $0x380, s29  }
0x9: {  	p0 =	seq.s32 s5, $0x0;
	s5 =	simm.s32 $0x0;
	s6 =	sor.u32 s7, s6  }
0xa: {  	s28 =	sshrl.u32 s26, $0x1;
	s13 =	sshrl.u32 s13, $0x2;
	s11 =	sshrl.u32 s11, $0x2  }
0xb: {  	[smem:$0x7FF] =	sst s5;
	s31 =	sadd.s32 s11, s4;
	s4 =	sadd.s32 s13, s4  }
0xc: {  	_ =	strace $0x80000047;
	s13 =	sadd.s32 $0x100, s4;
	[dreg:$0x9] =	wrdreg s4  }
0xd: {  	p0 =	por !p0, !p1;
	s15 =	sadd.s32 $0x180, s4;
	[dreg:$0xb] =	wrdreg s13  }
0xe: {  	s7 =	sshrl.u32 s6, $0x3;
	s17 =	sadd.s32 $0x200, s4;
	[dreg:$0xc] =	wrdreg s15  }
0xf: {  	p0 =	por !p0, !p0;
	s18 =	sadd.s32 $0x280, s4;
	[dreg:$0xe] =	wrdreg s17  }
0x10: {  	s3 =	sadd.s32 s7, s3;
	s19 =	sadd.s32 $0x300, s4;
	[dreg:$0xf] =	wrdreg s18  }
0x11: {  	s7 =	simm.s32 $0x1;
	s20 =	sadd.s32 $0x380, s4;
	[dreg:$0x10] =	wrdreg s19  }
0x12: {  	s11 =	sor.u32 $0x8000, s1;
	s21 =	sadd.s32 $0x2C000, s4;
	[dreg:$0x11] =	wrdreg s20  }
0x13: {  	s8 =	simm.s32 @!p0 $0x0;
	s3 =	sadd.s32 $0x200, s3;
	[dreg:$0x12] =	wrdreg s21  }
0x14: {  	s23 =	sadd.s32 $0x2C080, s4;
	s24 =	sadd.s32 $0x2C100, s4;
	[dreg:$0x13] =	wrdreg s3  }
0x15: {  	s29 =	sadd.s32 $0x2C280, s4;
	s25 =	ssub.s32 s14, s8;
	[dreg:$0x15] =	wrdreg s23  }
0x16: {  	s8 =	ssub.s32 s26, s28;
	s14 =	smul.u32 $0x1600, s14;
	[dreg:$0x16] =	wrdreg s24  }
0x17: {  	s26 =	sadd.s32 $0x2C180, s4;
	s28 =	sadd.s32 $0x2C200, s4;
	[dreg:$0x19] =	wrdreg s29  }
0x18: {  	s3 =	simm.s32 $0x4000;
	s15 =	simm.s32 $0x2;
	s17 =	simm.s32 $0x4  }
0x19: {  	s18 =	simm.s32 $0x80;
	s19 =	simm.s32 $0x400;
	s20 =	simm.s32 $0x15800  }
0x1a: {  	s21 =	simm.s32 $0x15D80;
	s23 =	simm.s32 $0x16880;
	s24 =	simm.s32 $0x0  }
0x1b: {  	s6 =	sshll.u32 s25, $0x12;
	s22 =	smax.u32 s8, $0x1;
	[dreg:$0x17] =	wrdreg s26  }
0x1c: {  	[dreg:$0x18] =	wrdreg s28;
	s9 =	sor.u32 s1, s6;
	s14 =	sshrl.u32 s14, $0x2  }
0x1d: {  	[dreg:$0x14] =	wrdreg s22;
	s10 =	sshrl.u32 s9, $0x3;
	s16 =	sor.u32 $0x10000, s14  }
0x1e: {  	s8 =	simm.s32 $0x10000;
	s12 =	sadd.s32 s0, s10;
	[dreg:$0xd] =	wrdreg s16  }
0x1f: {  	s22 =	simm.s32 $0x16300;
	s10 =	sadd.s32 s2, s10;
	[dreg:$0x6] =	wrdreg s12  }
0x20: {  	[dreg:$0x7] =	wrdreg s10;
	s10 =	sor.u32 $0x4000, s9;
	s9 =	sadd.s32 s30, s31  }
0x21: {  	s25 =	sor.u32 $0x10040, s14;
	s12 =	sadd.s32 $0x80, s4;
	[dreg:$0x8] =	wrdreg s9  }
0x22: {  	s14 =	simm.s32 $0xC000;
	s30 =	sadd.s32 $0x2C300, s4;
	[dreg:$0xa] =	wrdreg s12  }
0x23: {  	s16 =	simm.s32 $0x3;
	s31 =	sadd.s32 $0x2C380, s4;
	[dreg:$0x1a] =	wrdreg s30  }
0x24: {  	v0 =	vimm.f32 $1.000000000e+00;
	[dreg:$0x1b] =	wrdreg s31;
	s9 =	simm.s32 $0x5;
	s12 =	simm.s32 $0x8000  }
.LBB2_1:
0x25: {  	s1 =	rddreg [dreg:$0x6]  }
0x26: {  	[tilespmem:s5], [sflag:$0x1] =	stream.linear.gather [hbm4b:s1+s5], $0x4000, $0x38;
	[tilespmem:$0x1C600] =	vst v63  }
0x27: {  	s30 =	rddreg [dreg:$0x7]  }
0x28: {  	[tilespmem:s3], [sflag:$0x2] =	stream.linear.gather [hbm4b:s30+s5], $0x4000, $0x38;
	[tilespmem:$0x1C600] =	vst v63  }
0x29: {  	s31 =	rddreg [dreg:$0x2]  }
0x2a: {  	[tilespmem:s8], [sflag:$0x5] =	stream.linear.gather [hbm4b:s31+s5], $0x5800, $0x38;
	[tilespmem:$0x1C600] =	vst v63  }
0x2b: {  	_ =	swait.ge [sflag:s9], $0x5800  }
0x2c: {  	[sflag:s9] =	ssyncset.done $0x0  }
0x2d: {  	s26 =	simm.s32 $0x0;
	[sflag:s9] =	ssyncadd.s32 $0xFFFFA800  }
.LBB2_2:
0x2e: {  	s28 =	sshll.u32 s26, $0xF  }
0x2f: {  	s4 =	sadd.s32 s10, s28  }
0x30: {  	s4 =	sshrl.u32 s4, $0x3  }
0x31: {  	s30 =	simm.s32 $0x0;
	s29 =	sadd.s32 s0, s4  }
0x32: {  	[tilespmem:s12], [sflag:$0x3] =	stream.linear.gather [hbm4b:s29+s30], $0x4000, $0x38;
	[tilespmem:$0x1C600] =	vst v63  }
0x33: {  	s4 =	sadd.s32 s2, s4  }
0x34: {  	[tilespmem:s14], [sflag:$0x4] =	stream.linear.gather [hbm4b:s4+s30], $0x4000, $0x38;
	[tilespmem:$0x1C600] =	vst v63  }
0x35: {  	_ =	swait.ge [sflag:s7], $0x4000  }
0x36: {  	[sflag:s7] =	ssyncset.done $0x0  }
0x37: {  	[sflag:s7] =	ssyncadd.s32 $0xFFFFC000  }
0x38: {  	s1 =	sand.u32 $0x3000, s30;
	s29 =	sand.u32 $0xC00, s30;
	_ =	swait.ge [sflag:s15], $0x4000  }
0x39: {  	s4 =	sor.u32 s29, s1;
	s29 =	sand.u32 $0x380, s30;
	[sflag:s15] =	ssyncset.done $0x0  }
0x3a: {  	s4 =	sor.u32 s29, s4;
	[sflag:s15] =	ssyncadd.s32 $0xFFFFC000  }
0x3b: {  	v1 =	vld [tilespmem:s4+$0x4070]  }
0x3c: {  	v2 =	vld [tilespmem:s4+$0x4000]  }
0x3d: {  	v3 =	vld [tilespmem:s4+$0x70]  }
0x3e: {  	v4 =	vld [tilespmem:s4+$0x4010]  }
0x3f: {  	v5 =	vld [tilespmem:s4+$0x4020]  }
0x40: {  	v6 =	vld [tilespmem:s4+$0x4030]  }
0x41: {  	v7 =	vld [tilespmem:s4+$0x4040]  }
0x42: {  	v8 =	vld [tilespmem:s4+$0x0];
	v1 =	vmul.u32 $0x96, v1  }
0x43: {  	v9 =	vld [tilespmem:s4+$0x20]  }
0x44: {  	v10 =	vld [tilespmem:s4+$0x4050];
	v1 =	vadd.s32 v3, v1  }
0x45: {  	v2 =	vmul.u32 $0x96, v2;
	v3 =	vld [tilespmem:s4+$0x10]  }
0x46: {  	v11 =	vld [tilespmem:s4+$0x30];
	v5 =	vmul.u32 $0x96, v5  }
0x47: {  	v12 =	vld [tilespmem:s4+$0x4060];
	v2 =	vadd.s32 v8, v2  }
0x48: {  	v4 =	vmul.u32 $0x96, v4;
	v5 =	vadd.s32 v9, v5;
	v8 =	vld [tilespmem:s4+$0x60]  }
0x49: {  	[tilespmem:v1+s8+$0x0] =	vst.idx.add.f32.msk $0xffff, v0  }
0x4a: {  	s13 =	simm.s32 $0x400;
	s29 =	simm.s32 $0x80;
	v1 =	vadd.s32 v3, v4;
	v4 =	vld [tilespmem:s4+$0x40]  }
0x4b: {  	s30 =	simm.s32 $0x20;
	s29 =	sand.u32 $0x3000, s29;
	v3 =	vmul.u32 $0x96, v6;
	v6 =	vld [tilespmem:s4+$0x50];
	s4 =	sand.u32 $0xC00, s13  }
0x4c: {  	[tilespmem:v2+s8+$0x0] =	vst.idx.add.f32.msk $0xffff, v0;
	s4 =	sor.u32 s4, s29;
	s29 =	sand.u32 $0x380, s30  }
0x4d: {  	[tilespmem:v5+s8+$0x0] =	vst.idx.add.f32.msk $0xffff, v0;
	s4 =	sor.u32 s29, s4  }
0x4e: {  	v2 =	vld [tilespmem:s4+$0x70]  }
0x4f: {  	[tilespmem:v1+s8+$0x0] =	vst.idx.add.f32.msk $0xffff, v0  }
0x50: {  	v1 =	vld [tilespmem:s4+$0x4070]  }
0x51: {  	v5 =	vld [tilespmem:s4+$0x4010]  }
0x52: {  	v3 =	vadd.s32 v11, v3;
	v60 =	vld [tilespmem:s4+$0x4020]  }
0x53: {  	v61 =	vld [tilespmem:s4+$0x4030]  }
0x54: {  	v13 =	vld [tilespmem:s4+$0x4040]  }
0x55: {  	v14 =	vld [tilespmem:s4+$0x4060];
	v1 =	vmul.u32 $0x96, v1  }
0x56: {  	v15 =	vld [tilespmem:s4+$0x0]  }
0x57: {  	[tilespmem:v3+s8+$0x0] =	vst.idx.add.f32.msk $0xffff, v0;
	v1 =	vadd.s32 v2, v1  }
0x58: {  	v3 =	vld [tilespmem:s4+$0x4000]  }
0x59: {  	v7 =	vmul.u32 $0x96, v7;
	v16 =	vld [tilespmem:s4+$0x10]  }
0x5a: {  	v62 =	vld [tilespmem:s4+$0x30]  }
0x5b: {  	v17 =	vld [tilespmem:s4+$0x40];
	v4 =	vadd.s32 v4, v7;
	v7 =	vmul.u32 $0x96, v10  }
0x5c: {  	[tilespmem:v1+s8+$0x0] =	vst.idx.add.f32.msk $0xffff, v0  }
0x5d: {  	v7 =	vadd.s32 v6, v7;
	v1 =	vmul.u32 $0x96, v3;
	v3 =	vld [tilespmem:s4+$0x20]  }
0x5e: {  	v18 =	vld [tilespmem:s4+$0x50];
	v5 =	vmul.u32 $0x96, v5  }
0x5f: {  	v2 =	vld [tilespmem:s4+$0x4050]  }
0x60: {  	v16 =	vadd.s32 v16, v5;
	[tilespmem:v4+s8+$0x0] =	vst.idx.add.f32.msk $0xffff, v0;
	v4 =	vmul.u32 $0x96, v60  }
0x61: {  	v6 =	vld [tilespmem:s4+$0x60];
	v15 =	vadd.s32 v15, v1;
	v1 =	vmul.u32 $0x96, v12  }
0x62: {  	v5 =	vmul.u32 $0x96, v61;
	[tilespmem:v7+s8+$0x0] =	vst.idx.add.f32.msk $0xffff, v0;
	v7 =	vadd.s32 v3, v4  }
0x63: {  	v1 =	vadd.s32 v8, v1  }
0x64: {  	v63 =	vmul.u32 $0x96, v2;
	v8 =	vmul.u32 $0x96, v13;
	v4 =	vadd.s32 v62, v5  }
0x65: {  	s31 =	simm.s32 $0x800;
	[tilespmem:v16+s8+$0x0] =	vst.idx.add.f32.msk $0xffff, v0;
	v5 =	vmul.u32 $0x96, v14  }
0x66: {  	s30 =	simm.s32 $0x40;
	s29 =	simm.s32 $0x8;
	s4 =	simm.s32 $0x100;
	v3 =	vadd.s32 v18, v63;
	v2 =	vadd.s32 v17, v8;
	[tilespmem:v15+s8+$0x0] =	vst.idx.add.f32.msk $0xffff, v0  }
.LBB2_3:
0x67: {  	s1 =	sand.u32 $0x3000, s4;
	s13 =	sand.u32 $0xC00, s31;
	s29 =	sadd.s32 $0x8, s29;
	[tilespmem:v7+s8+$0x0] =	vst.idx.add.f32.msk $0xffff, v0;
	v5 =	vadd.s32 v6, v5  }
0x68: {  	s1 =	sor.u32 s13, s1;
	s13 =	sand.u32 $0x380, s30;
	p0 =	slt.u32 s29, $0x3F8;
	[tilespmem:v1+s8+$0x0] =	vst.idx.add.f32.msk $0xffff, v0;
	v1 =	vmov v5  }
0x69: {  	s1 =	sor.u32 s13, s1;
	[tilespmem:v4+s8+$0x0] =	vst.idx.add.f32.msk $0xffff, v0  }
0x6a: {  	v4 =	vld [tilespmem:s1+$0x4070]  }
0x6b: {  	v5 =	vld [tilespmem:s1+$0x4000]  }
0x6c: {  	v6 =	vld [tilespmem:s1+$0x70]  }
0x6d: {  	v7 =	vld [tilespmem:s1+$0x4010]  }
0x6e: {  	v8 =	vld [tilespmem:s1+$0x4020]  }
0x6f: {  	v9 =	vld [tilespmem:s1+$0x4030];
	v4 =	vmul.u32 $0x96, v4  }
0x70: {  	v10 =	vmul.u32 $0x96, v5;
	v5 =	vld [tilespmem:s1+$0x4040]  }
0x71: {  	v11 =	vld [tilespmem:s1+$0x4050];
	v4 =	vadd.s32 v6, v4  }
0x72: {  	v6 =	vmul.u32 $0x96, v7;
	v7 =	vld [tilespmem:s1+$0x4060]  }
0x73: {  	v12 =	vld [tilespmem:s1+$0x0];
	v8 =	vmul.u32 $0x96, v8  }
0x74: {  	v13 =	vld [tilespmem:s1+$0x10];
	v9 =	vmul.u32 $0x96, v9  }
0x75: {  	v14 =	vld [tilespmem:s1+$0x20];
	v15 =	vmul.u32 $0x96, v5  }
0x76: {  	v11 =	vmul.u32 $0x96, v11;
	[tilespmem:v4+s8+$0x0] =	vst.idx.add.f32.msk $0xffff, v0  }
0x77: {  	v4 =	vld [tilespmem:s1+$0x30];
	v5 =	vmul.u32 $0x96, v7  }
0x78: {  	v10 =	vadd.s32 v12, v10;
	v12 =	vld [tilespmem:s1+$0x40]  }
0x79: {  	v13 =	vadd.s32 v13, v6;
	v16 =	vld [tilespmem:s1+$0x50]  }
.Ltmp0:
0x7a: {  	v7 =	vadd.s32 v14, v8;
	v6 =	vld [tilespmem:s1+$0x60];
	(pc) =	sbr.rel @p0 .LBB2_3-.Ltmp0, $4  }
0x7b: {  	[tilespmem:v2+s8+$0x0] =	vst.idx.add.f32.msk $0xffff, v0  }
0x7c: {  	v4 =	vadd.s32 v4, v9;
	[tilespmem:v3+s8+$0x0] =	vst.idx.add.f32.msk $0xffff, v0  }
0x7d: {  	[tilespmem:v10+s8+$0x0] =	vst.idx.add.f32.msk $0xffff, v0;
	v2 =	vadd.s32 v12, v15  }
0x7e: {  	s31 =	sadd.s32 $0x400, s31;
	s4 =	sadd.s32 $0x80, s4;
	s30 =	sadd.s32 $0x20, s30;
	[tilespmem:v13+s8+$0x0] =	vst.idx.add.f32.msk $0xffff, v0;
	v3 =	vadd.s32 v16, v11  }
0x7f: {  	_ =	sdelay $0x3  }
0x80: {  	[tilespmem:v7+s8+$0x0] =	vst.idx.add.f32.msk $0xffff, v0;
	v5 =	vadd.s32 v6, v5  }
0x81: {  	[tilespmem:v1+s8+$0x0] =	vst.idx.add.f32.msk $0xffff, v0;
	p0 =	seq.s32 s26, $0x3;
	s1 =	sadd.s32 s28, s11  }
0x82: {  	[tilespmem:v4+s8+$0x0] =	vst.idx.add.f32.msk $0xffff, v0;
	s1 =	simm.s32 @p0 $0x3  }
0x83: {  	[tilespmem:v2+s8+$0x0] =	vst.idx.add.f32.msk $0xffff, v0;
	s1 =	sadd.s32 s6, s1  }
0x84: {  	[tilespmem:v3+s8+$0x0] =	vst.idx.add.f32.msk $0xffff, v0;
	s1 =	sshrl.u32 s1, $0x3  }
0x85: {  	s13 =	simm.s32 $0x0;
	s4 =	sadd.s32 s0, s1;
	[tilespmem:v5+s8+$0x0] =	vst.idx.add.f32.msk $0xffff, v0  }
0x86: {  	[tilespmem:s13], [sflag:$0x1] =	stream.linear.gather [hbm4b:s4+s13], $0x4000, $0x38;
	[tilespmem:$0x1C600] =	vst v63  }
0x87: {  	s1 =	sadd.s32 s2, s1  }
0x88: {  	[tilespmem:s3], [sflag:$0x2] =	stream.linear.gather [hbm4b:s1+s13], $0x4000, $0x38;
	[tilespmem:$0x1C600] =	vst v63  }
0x89: {  	_ =	swait.ge [sflag:s16], $0x4000  }
0x8a: {  	[sflag:s16] =	ssyncset.done $0x0  }
0x8b: {  	[sflag:s16] =	ssyncadd.s32 $0xFFFFC000  }
0x8c: {  	s31 =	sand.u32 $0xC00, s13;
	s4 =	sand.u32 $0x3000, s13;
	_ =	swait.ge [sflag:s17], $0x4000  }
0x8d: {  	s1 =	sor.u32 s31, s4;
	s31 =	sand.u32 $0x380, s13;
	[sflag:s17] =	ssyncset.done $0x0  }
0x8e: {  	s1 =	sor.u32 s31, s1;
	[sflag:s17] =	ssyncadd.s32 $0xFFFFC000  }
0x8f: {  	v1 =	vld [tilespmem:s1+$0xC070]  }
0x90: {  	v2 =	vld [tilespmem:s1+$0xC000]  }
0x91: {  	v3 =	vld [tilespmem:s1+$0x8070]  }
0x92: {  	v4 =	vld [tilespmem:s1+$0xC010]  }
0x93: {  	v5 =	vld [tilespmem:s1+$0xC020]  }
0x94: {  	v6 =	vld [tilespmem:s1+$0xC030]  }
0x95: {  	v7 =	vld [tilespmem:s1+$0xC040]  }
0x96: {  	v8 =	vld [tilespmem:s1+$0x8000];
	v1 =	vmul.u32 $0x96, v1  }
0x97: {  	v9 =	vld [tilespmem:s1+$0x8020]  }
0x98: {  	v1 =	vadd.s32 v3, v1;
	v3 =	vld [tilespmem:s1+$0x8010]  }
0x99: {  	v10 =	vld [tilespmem:s1+$0xC050];
	v2 =	vmul.u32 $0x96, v2  }
0x9a: {  	v11 =	vld [tilespmem:s1+$0x8030];
	v5 =	vmul.u32 $0x96, v5  }
0x9b: {  	v12 =	vld [tilespmem:s1+$0xC060];
	v4 =	vmul.u32 $0x96, v4;
	v2 =	vadd.s32 v8, v2  }
0x9c: {  	v5 =	vadd.s32 v9, v5;
	v8 =	vld [tilespmem:s1+$0x8060]  }
0x9d: {  	[tilespmem:v1+s8+$0x0] =	vst.idx.add.f32.msk $0xffff, v0;
	v1 =	vadd.s32 v3, v4  }
0x9e: {  	v4 =	vld [tilespmem:s1+$0x8040]  }
0x9f: {  	s13 =	simm.s32 $0x80;
	v3 =	vmul.u32 $0x96, v6;
	v6 =	vld [tilespmem:s1+$0x8050];
	s1 =	simm.s32 $0x400  }
0xa0: {  	s31 =	simm.s32 $0x20;
	s4 =	sand.u32 $0x3000, s13;
	[tilespmem:v2+s8+$0x0] =	vst.idx.add.f32.msk $0xffff, v0;
	s1 =	sand.u32 $0xC00, s1  }
0xa1: {  	s31 =	sand.u32 $0x380, s31;
	[tilespmem:v5+s8+$0x0] =	vst.idx.add.f32.msk $0xffff, v0;
	s1 =	sor.u32 s1, s4  }
0xa2: {  	s1 =	sor.u32 s31, s1;
	[tilespmem:v1+s8+$0x0] =	vst.idx.add.f32.msk $0xffff, v0  }
0xa3: {  	v1 =	vld [tilespmem:s1+$0xC070]  }
0xa4: {  	v2 =	vld [tilespmem:s1+$0x8070]  }
0xa5: {  	v3 =	vadd.s32 v11, v3;
	v5 =	vld [tilespmem:s1+$0xC010]  }
0xa6: {  	v59 =	vld [tilespmem:s1+$0xC020]  }
0xa7: {  	v60 =	vld [tilespmem:s1+$0xC030]  }
0xa8: {  	v13 =	vld [tilespmem:s1+$0xC040];
	v1 =	vmul.u32 $0x96, v1  }
0xa9: {  	v14 =	vld [tilespmem:s1+$0xC060]  }
0xaa: {  	[tilespmem:v3+s8+$0x0] =	vst.idx.add.f32.msk $0xffff, v0;
	v1 =	vadd.s32 v2, v1  }
0xab: {  	v3 =	vld [tilespmem:s1+$0xC000]  }
0xac: {  	v7 =	vmul.u32 $0x96, v7;
	v15 =	vld [tilespmem:s1+$0x8000]  }
0xad: {  	v16 =	vld [tilespmem:s1+$0x8010]  }
0xae: {  	v61 =	vld [tilespmem:s1+$0x8030];
	v4 =	vadd.s32 v4, v7  }
0xaf: {  	[tilespmem:v1+s8+$0x0] =	vst.idx.add.f32.msk $0xffff, v0  }
0xb0: {  	v7 =	vmul.u32 $0x96, v10;
	v1 =	vmul.u32 $0x96, v3;
	v3 =	vld [tilespmem:s1+$0x8020]  }
0xb1: {  	v17 =	vld [tilespmem:s1+$0x8040];
	v5 =	vmul.u32 $0x96, v5  }
0xb2: {  	v6 =	vadd.s32 v6, v7;
	v2 =	vld [tilespmem:s1+$0xC050]  }
0xb3: {  	[tilespmem:v4+s8+$0x0] =	vst.idx.add.f32.msk $0xffff, v0;
	v4 =	vmul.u32 $0x96, v59;
	v16 =	vadd.s32 v16, v5  }
0xb4: {  	v18 =	vld [tilespmem:s1+$0x8050];
	v15 =	vadd.s32 v15, v1;
	v1 =	vmul.u32 $0x96, v12  }
0xb5: {  	v62 =	vmul.u32 $0x96, v60;
	v5 =	vld [tilespmem:s1+$0x8060];
	v7 =	vadd.s32 v3, v4  }
0xb6: {  	v1 =	vadd.s32 v8, v1  }
0xb7: {  	[tilespmem:v6+s8+$0x0] =	vst.idx.add.f32.msk $0xffff, v0;
	v6 =	vadd.s32 v61, v62;
	v63 =	vmul.u32 $0x96, v2;
	v8 =	vmul.u32 $0x96, v13  }
0xb8: {  	s28 =	simm.s32 $0x8;
	[tilespmem:v16+s8+$0x0] =	vst.idx.add.f32.msk $0xffff, v0;
	v4 =	vmul.u32 $0x96, v14  }
0xb9: {  	s29 =	simm.s32 $0x40;
	s30 =	simm.s32 $0x800;
	s4 =	simm.s32 $0x100;
	v3 =	vadd.s32 v18, v63;
	v2 =	vadd.s32 v17, v8;
	[tilespmem:v15+s8+$0x0] =	vst.idx.add.f32.msk $0xffff, v0  }
.LBB2_5:
0xba: {  	s1 =	sand.u32 $0x3000, s4;
	s13 =	sand.u32 $0xC00, s30;
	s28 =	sadd.s32 $0x8, s28;
	[tilespmem:v7+s8+$0x0] =	vst.idx.add.f32.msk $0xffff, v0;
	v4 =	vadd.s32 v5, v4  }
0xbb: {  	s1 =	sor.u32 s13, s1;
	s13 =	sand.u32 $0x380, s29;
	p0 =	slt.u32 s28, $0x3F8;
	[tilespmem:v1+s8+$0x0] =	vst.idx.add.f32.msk $0xffff, v0;
	v1 =	vmov v4  }
0xbc: {  	s1 =	sor.u32 s13, s1;
	[tilespmem:v6+s8+$0x0] =	vst.idx.add.f32.msk $0xffff, v0  }
0xbd: {  	v4 =	vld [tilespmem:s1+$0xC070]  }
0xbe: {  	v5 =	vld [tilespmem:s1+$0xC000]  }
0xbf: {  	v6 =	vld [tilespmem:s1+$0x8070]  }
0xc0: {  	v7 =	vld [tilespmem:s1+$0xC010]  }
0xc1: {  	v8 =	vld [tilespmem:s1+$0xC020]  }
0xc2: {  	v9 =	vld [tilespmem:s1+$0xC030];
	v4 =	vmul.u32 $0x96, v4  }
0xc3: {  	v5 =	vmul.u32 $0x96, v5;
	v10 =	vld [tilespmem:s1+$0xC040]  }
0xc4: {  	v11 =	vld [tilespmem:s1+$0xC050];
	v4 =	vadd.s32 v6, v4  }
0xc5: {  	v6 =	vmul.u32 $0x96, v7;
	v7 =	vld [tilespmem:s1+$0xC060]  }
0xc6: {  	v12 =	vld [tilespmem:s1+$0x8000];
	v8 =	vmul.u32 $0x96, v8  }
0xc7: {  	v13 =	vld [tilespmem:s1+$0x8010];
	v9 =	vmul.u32 $0x96, v9  }
0xc8: {  	v14 =	vld [tilespmem:s1+$0x8020];
	v10 =	vmul.u32 $0x96, v10  }
0xc9: {  	v11 =	vmul.u32 $0x96, v11;
	[tilespmem:v4+s8+$0x0] =	vst.idx.add.f32.msk $0xffff, v0  }
0xca: {  	v15 =	vld [tilespmem:s1+$0x8030];
	v4 =	vmul.u32 $0x96, v7  }
0xcb: {  	v12 =	vadd.s32 v12, v5;
	v16 =	vld [tilespmem:s1+$0x8040]  }
0xcc: {  	v13 =	vadd.s32 v13, v6;
	v17 =	vld [tilespmem:s1+$0x8050]  }
.Ltmp1:
0xcd: {  	v7 =	vadd.s32 v14, v8;
	v5 =	vld [tilespmem:s1+$0x8060];
	(pc) =	sbr.rel @p0 .LBB2_5-.Ltmp1, $4  }
0xce: {  	[tilespmem:v2+s8+$0x0] =	vst.idx.add.f32.msk $0xffff, v0  }
0xcf: {  	v6 =	vadd.s32 v15, v9;
	[tilespmem:v3+s8+$0x0] =	vst.idx.add.f32.msk $0xffff, v0  }
0xd0: {  	[tilespmem:v12+s8+$0x0] =	vst.idx.add.f32.msk $0xffff, v0;
	v2 =	vadd.s32 v16, v10  }
0xd1: {  	s30 =	sadd.s32 $0x400, s30;
	s4 =	sadd.s32 $0x80, s4;
	s29 =	sadd.s32 $0x20, s29;
	[tilespmem:v13+s8+$0x0] =	vst.idx.add.f32.msk $0xffff, v0;
	v3 =	vadd.s32 v17, v11  }
0xd2: {  	_ =	sdelay $0x2  }
0xd3: {  	s26 =	sadd.s32 $0x1, s26  }
0xd4: {  	[tilespmem:v7+s8+$0x0] =	vst.idx.add.f32.msk $0xffff, v0;
	v4 =	vadd.s32 v5, v4;
	p0 =	sne.s32 s26, $0x4  }
.Ltmp2:
0xd5: {  	[tilespmem:v1+s8+$0x0] =	vst.idx.add.f32.msk $0xffff, v0;
	(pc) =	sbr.rel @p0 .LBB2_2-.Ltmp2, $4  }
0xd6: {  	[tilespmem:v6+s8+$0x0] =	vst.idx.add.f32.msk $0xffff, v0  }
0xd7: {  	[tilespmem:v2+s8+$0x0] =	vst.idx.add.f32.msk $0xffff, v0  }
0xd8: {  	[tilespmem:v3+s8+$0x0] =	vst.idx.add.f32.msk $0xffff, v0  }
0xd9: {  	[tilespmem:v4+s8+$0x0] =	vst.idx.add.f32.msk $0xffff, v0  }
0xda: {  	_ =	swait.ge [sflag:s7], $0x4000  }
0xdb: {  	[sflag:s7] =	ssyncset.done $0x0  }
0xdc: {  	[sflag:s7] =	ssyncadd.s32 $0xFFFFC000  }
0xdd: {  	_ =	swait.ge [sflag:s15], $0x4000  }
0xde: {  	[sflag:s15] =	ssyncset.done $0x0  }
0xdf: {  	s1 =	rddreg [dreg:$0x8];
	[sflag:s15] =	ssyncadd.s32 $0xFFFFC000  }
0xe0: {  	[spmem:s1] =	stream.strided.scatter [tilespmem:s8], [sflag:$0x5], $0x5800, s19, s18, $0x38;
	[tilespmem:$0x1C600] =	vst v63  }
0xe1: {  	_ =	swait.ge [sflag:s9], $0x5800  }
0xe2: {  	[sflag:s9] =	ssyncset.done $0x0  }
0xe3: {  	[sflag:s9] =	ssyncadd.s32 $0xFFFFA800  }
0xe4: {  	[bflag:$0x0] =	sbarrier.arrive $0xFFFF  }
0xe5: {  	s13 =	rddreg [dreg:$0x9]  }
0xe6: {  	[tilespmem:s20], [sflag:$0x1] =	stream.strided.gather [spmem:s13], $0x580, s19, s18, $0x38;
	[tilespmem:$0x1C600] =	vst v63  }
0xe7: {  	s26 =	rddreg [dreg:$0xa]  }
0xe8: {  	[tilespmem:s21], [sflag:$0x2] =	stream.strided.gather [spmem:s26], $0x580, s19, s18, $0x38;
	[tilespmem:$0x1C600] =	vst v63  }
0xe9: {  	s29 =	rddreg [dreg:$0xb]  }
0xea: {  	[tilespmem:s22], [sflag:$0x3] =	stream.strided.gather [spmem:s29], $0x580, s19, s18, $0x38;
	[tilespmem:$0x1C600] =	vst v63  }
0xeb: {  	s30 =	rddreg [dreg:$0xc]  }
0xec: {  	[tilespmem:s23], [sflag:$0x4] =	stream.strided.gather [spmem:s30], $0x580, s19, s18, $0x38;
	[tilespmem:$0x1C600] =	vst v63  }
0xed: {  	_ =	swait.ge [sflag:s7], $0x580  }
0xee: {  	[sflag:s7] =	ssyncset.done $0x0  }
0xef: {  	s31 =	simm.s32 $0x15840;
	[sflag:s7] =	ssyncadd.s32 $0xFFFFFA80  }
0xf0: {  	v4 =	vld [tilespmem:s31+$0x30]  }
0xf1: {  	v5 =	vld [tilespmem:s31+$0xFFFFFFD0]  }
0xf2: {  	v6 =	vld [tilespmem:s31+$0xFFFFFFE0]  }
0xf3: {  	v2 =	vld [tilespmem:s31+$0xFFFFFFF0]  }
0xf4: {  	v1 =	vld [tilespmem:s31+$0x0]  }
0xf5: {  	v3 =	vld [tilespmem:s31+$0x10];
	[tilespmem:s25+$0x30] =	vst v4  }
0xf6: {  	[tilespmem:s25+$0xFFFFFFD0] =	vst v5;
	v4 =	vld [tilespmem:s31+$0x20]  }
0xf7: {  	s28 =	simm.s32 $0x158C0;
	s4 =	smov.u32 s25;
	s26 =	simm.s32 $0x0;
	v5 =	vld [tilespmem:s31+$0xFFFFFFC0];
	[tilespmem:s25+$0xFFFFFFE0] =	vst v6  }
.LBB2_8:
0xf8: {  	v6 =	vld [tilespmem:s28+$0x30];
	s26 =	sadd.s32 $0x8, s26;
	[tilespmem:s4+$0xFFFFFFF0] =	vst v2  }
0xf9: {  	v7 =	vld [tilespmem:s28+$0xFFFFFFD0];
	p0 =	slt.u32 s26, $0x50;
	[tilespmem:s4+$0x0] =	vst v1  }
0xfa: {  	v8 =	vld [tilespmem:s28+$0xFFFFFFE0];
	[tilespmem:s4+$0x10] =	vst v3  }
.Ltmp3:
0xfb: {  	v2 =	vld [tilespmem:s28+$0xFFFFFFF0];
	[tilespmem:s4+$0x20] =	vst v4;
	(pc) =	sbr.rel @p0 .LBB2_8-.Ltmp3, $4  }
0xfc: {  	v1 =	vld [tilespmem:s28+$0x0];
	[tilespmem:s4+$0xFFFFFFC0] =	vst v5;
	s4 =	sadd.s32 $0x80, s4  }
0xfd: {  	v3 =	vld [tilespmem:s28+$0x10];
	[tilespmem:s4+$0x30] =	vst v6  }
0xfe: {  	[tilespmem:s4+$0xFFFFFFD0] =	vst v7;
	v4 =	vld [tilespmem:s28+$0x20]  }
0xff: {  	v5 =	vld [tilespmem:s28+$0xFFFFFFC0];
	[tilespmem:s4+$0xFFFFFFE0] =	vst v8;
	s28 =	sadd.s32 $0x80, s28  }
0x100: {  	[tilespmem:s4+$0xFFFFFFF0] =	vst v2  }
0x101: {  	[tilespmem:s4+$0x0] =	vst v1  }
0x102: {  	[tilespmem:s4+$0x10] =	vst v3  }
0x103: {  	[tilespmem:s4+$0x20] =	vst v4  }
0x104: {  	[tilespmem:s4+$0xFFFFFFC0] =	vst v5  }
0x105: {  	s1 =	rddreg [dreg:$0xe]  }
0x106: {  	[tilespmem:s20], [sflag:$0x1] =	stream.strided.gather [spmem:s1], $0x580, s19, s18, $0x38;
	[tilespmem:$0x1C600] =	vst v63  }
0x107: {  	_ =	swait.ge [sflag:s15], $0x580  }
0x108: {  	[sflag:s15] =	ssyncset.done $0x0  }
0x109: {  	[sflag:s15] =	ssyncadd.s32 $0xFFFFFA80  }
0x10a: {  	s26 =	simm.s32 $0x15DC0;
	v2 =	vld [tilespmem:s25+$0x30]  }
0x10b: {  	v3 =	vld [tilespmem:s26+$0x30]  }
0x10c: {  	v1 =	vld [tilespmem:s26+$0xFFFFFFC0]  }
0x10d: {  	v4 =	vld [tilespmem:s25+$0xFFFFFFD0]  }
0x10e: {  	v5 =	vld [tilespmem:s26+$0xFFFFFFD0]  }
0x10f: {  	v6 =	vld [tilespmem:s25+$0xFFFFFFE0]  }
0x110: {  	v7 =	vld [tilespmem:s26+$0xFFFFFFE0]  }
0x111: {  	v8 =	vld [tilespmem:s25+$0xFFFFFFF0]  }
0x112: {  	v9 =	vld [tilespmem:s26+$0xFFFFFFF0]  }
0x113: {  	v10 =	vld [tilespmem:s25+$0x0]  }
0x114: {  	v11 =	vld [tilespmem:s26+$0x0];
	v3 =	vadd.f32 v3, v2  }
0x115: {  	v5 =	vadd.f32 v5, v4;
	v2 =	vld [tilespmem:s25+$0x10]  }
0x116: {  	v6 =	vadd.f32 v7, v6;
	v4 =	vld [tilespmem:s26+$0x10];
	[tilespmem:s25+$0x30] =	vst v3  }
0x117: {  	v7 =	vadd.f32 v9, v8;
	[tilespmem:s25+$0xFFFFFFD0] =	vst v5;
	v3 =	vld [tilespmem:s25+$0x20]  }
0x118: {  	[tilespmem:s25+$0xFFFFFFE0] =	vst v6;
	v6 =	vld [tilespmem:s26+$0x20]  }
0x119: {  	s28 =	simm.s32 $0x0;
	s29 =	sadd.s32 $0x80, s25;
	s4 =	smov.u32 s25;
	v5 =	vld [tilespmem:s25+$0xFFFFFFC0];
	[tilespmem:s25+$0xFFFFFFF0] =	vst v7;
	v7 =	vadd.f32 v11, v10  }
.LBB2_10:
0x11a: {  	v8 =	vld [tilespmem:s29+$0x30];
	s26 =	sadd.s32 $0x80, s26  }
0x11b: {  	s28 =	sadd.s32 $0x8, s28;
	v9 =	vld [tilespmem:s26+$0x30];
	[tilespmem:s4+$0x0] =	vst v7;
	v2 =	vadd.f32 v4, v2  }
0x11c: {  	p0 =	slt.u32 s28, $0x50;
	v4 =	vld [tilespmem:s26+$0xFFFFFFC0]  }
0x11d: {  	v7 =	vld [tilespmem:s29+$0xFFFFFFD0];
	[tilespmem:s4+$0x10] =	vst v2;
	v2 =	vadd.f32 v6, v3  }
0x11e: {  	v3 =	vld [tilespmem:s26+$0xFFFFFFD0];
	v10 =	vadd.f32 v1, v5  }
0x11f: {  	v5 =	vld [tilespmem:s29+$0xFFFFFFE0];
	[tilespmem:s4+$0x20] =	vst v2  }
0x120: {  	v2 =	vld [tilespmem:s26+$0xFFFFFFE0];
	v6 =	vadd.f32 v9, v8;
	[tilespmem:s4+$0xFFFFFFC0] =	vst v10;
	s4 =	smov.u32 s29  }
0x121: {  	v8 =	vld [tilespmem:s29+$0xFFFFFFF0];
	v1 =	vmov v4  }
0x122: {  	v9 =	vld [tilespmem:s26+$0xFFFFFFF0];
	[tilespmem:s29+$0x30] =	vst v6  }
0x123: {  	v3 =	vadd.f32 v3, v7;
	v7 =	vld [tilespmem:s29+$0x0]  }
0x124: {  	v10 =	vld [tilespmem:s26+$0x0]  }
.Ltmp4:
0x125: {  	[tilespmem:s29+$0xFFFFFFD0] =	vst v3;
	v3 =	vadd.f32 v2, v5;
	v2 =	vld [tilespmem:s29+$0x10];
	(pc) =	sbr.rel @p0 .LBB2_10-.Ltmp4, $4  }
0x126: {  	v4 =	vld [tilespmem:s26+$0x10]  }
0x127: {  	[tilespmem:s29+$0xFFFFFFE0] =	vst v3;
	v8 =	vadd.f32 v9, v8;
	v3 =	vld [tilespmem:s29+$0x20]  }
0x128: {  	v6 =	vld [tilespmem:s26+$0x20]  }
0x129: {  	s29 =	sadd.s32 $0x80, s29;
	v5 =	vld [tilespmem:s4+$0xFFFFFFC0];
	[tilespmem:s4+$0xFFFFFFF0] =	vst v8;
	v7 =	vadd.f32 v10, v7  }
0x12a: {  	_ =	sdelay $0x1  }
0x12b: {  	v2 =	vadd.f32 v4, v2  }
0x12c: {  	[tilespmem:s4+$0x0] =	vst v7;
	v3 =	vadd.f32 v6, v3  }
0x12d: {  	[tilespmem:s4+$0x10] =	vst v2;
	v1 =	vadd.f32 v1, v5  }
0x12e: {  	[tilespmem:s4+$0x20] =	vst v3  }
0x12f: {  	[tilespmem:s4+$0xFFFFFFC0] =	vst v1  }
0x130: {  	s1 =	rddreg [dreg:$0xf]  }
0x131: {  	[tilespmem:s21], [sflag:$0x2] =	stream.strided.gather [spmem:s1], $0x580, s19, s18, $0x38;
	[tilespmem:$0x1C600] =	vst v63  }
0x132: {  	_ =	swait.ge [sflag:s16], $0x580  }
0x133: {  	[sflag:s16] =	ssyncset.done $0x0  }
0x134: {  	[sflag:s16] =	ssyncadd.s32 $0xFFFFFA80  }
0x135: {  	s26 =	simm.s32 $0x16340;
	v2 =	vld [tilespmem:s25+$0x30]  }
0x136: {  	v3 =	vld [tilespmem:s26+$0x30]  }
0x137: {  	v1 =	vld [tilespmem:s26+$0xFFFFFFC0]  }
0x138: {  	v4 =	vld [tilespmem:s25+$0xFFFFFFD0]  }
0x139: {  	v5 =	vld [tilespmem:s26+$0xFFFFFFD0]  }
0x13a: {  	v6 =	vld [tilespmem:s25+$0xFFFFFFE0]  }
0x13b: {  	v7 =	vld [tilespmem:s26+$0xFFFFFFE0]  }
0x13c: {  	v8 =	vld [tilespmem:s25+$0xFFFFFFF0]  }
0x13d: {  	v9 =	vld [tilespmem:s26+$0xFFFFFFF0]  }
0x13e: {  	v10 =	vld [tilespmem:s25+$0x0]  }
0x13f: {  	v11 =	vld [tilespmem:s26+$0x0];
	v3 =	vadd.f32 v3, v2  }
0x140: {  	v5 =	vadd.f32 v5, v4;
	v2 =	vld [tilespmem:s25+$0x10]  }
0x141: {  	v6 =	vadd.f32 v7, v6;
	v4 =	vld [tilespmem:s26+$0x10];
	[tilespmem:s25+$0x30] =	vst v3  }
0x142: {  	v7 =	vadd.f32 v9, v8;
	[tilespmem:s25+$0xFFFFFFD0] =	vst v5;
	v3 =	vld [tilespmem:s25+$0x20]  }
0x143: {  	[tilespmem:s25+$0xFFFFFFE0] =	vst v6;
	v6 =	vld [tilespmem:s26+$0x20]  }
0x144: {  	s28 =	simm.s32 $0x0;
	s29 =	sadd.s32 $0x80, s25;
	s4 =	smov.u32 s25;
	v5 =	vld [tilespmem:s25+$0xFFFFFFC0];
	[tilespmem:s25+$0xFFFFFFF0] =	vst v7;
	v7 =	vadd.f32 v11, v10  }
.LBB2_12:
0x145: {  	v8 =	vld [tilespmem:s29+$0x30];
	s26 =	sadd.s32 $0x80, s26  }
0x146: {  	s28 =	sadd.s32 $0x8, s28;
	v9 =	vld [tilespmem:s26+$0x30];
	[tilespmem:s4+$0x0] =	vst v7;
	v2 =	vadd.f32 v4, v2  }
0x147: {  	p0 =	slt.u32 s28, $0x50;
	v4 =	vld [tilespmem:s26+$0xFFFFFFC0]  }
0x148: {  	v7 =	vld [tilespmem:s29+$0xFFFFFFD0];
	[tilespmem:s4+$0x10] =	vst v2;
	v2 =	vadd.f32 v6, v3  }
0x149: {  	v3 =	vld [tilespmem:s26+$0xFFFFFFD0];
	v10 =	vadd.f32 v1, v5  }
0x14a: {  	v5 =	vld [tilespmem:s29+$0xFFFFFFE0];
	[tilespmem:s4+$0x20] =	vst v2  }
0x14b: {  	v2 =	vld [tilespmem:s26+$0xFFFFFFE0];
	v6 =	vadd.f32 v9, v8;
	[tilespmem:s4+$0xFFFFFFC0] =	vst v10;
	s4 =	smov.u32 s29  }
0x14c: {  	v8 =	vld [tilespmem:s29+$0xFFFFFFF0];
	v1 =	vmov v4  }
0x14d: {  	v9 =	vld [tilespmem:s26+$0xFFFFFFF0];
	[tilespmem:s29+$0x30] =	vst v6  }
0x14e: {  	v3 =	vadd.f32 v3, v7;
	v7 =	vld [tilespmem:s29+$0x0]  }
0x14f: {  	v10 =	vld [tilespmem:s26+$0x0]  }
.Ltmp5:
0x150: {  	[tilespmem:s29+$0xFFFFFFD0] =	vst v3;
	v3 =	vadd.f32 v2, v5;
	v2 =	vld [tilespmem:s29+$0x10];
	(pc) =	sbr.rel @p0 .LBB2_12-.Ltmp5, $4  }
0x151: {  	v4 =	vld [tilespmem:s26+$0x10]  }
0x152: {  	[tilespmem:s29+$0xFFFFFFE0] =	vst v3;
	v8 =	vadd.f32 v9, v8;
	v3 =	vld [tilespmem:s29+$0x20]  }
0x153: {  	v6 =	vld [tilespmem:s26+$0x20]  }
0x154: {  	s29 =	sadd.s32 $0x80, s29;
	v5 =	vld [tilespmem:s4+$0xFFFFFFC0];
	[tilespmem:s4+$0xFFFFFFF0] =	vst v8;
	v7 =	vadd.f32 v10, v7  }
0x155: {  	_ =	sdelay $0x1  }
0x156: {  	v2 =	vadd.f32 v4, v2  }
0x157: {  	[tilespmem:s4+$0x0] =	vst v7;
	v3 =	vadd.f32 v6, v3  }
0x158: {  	[tilespmem:s4+$0x10] =	vst v2;
	v1 =	vadd.f32 v1, v5  }
0x159: {  	[tilespmem:s4+$0x20] =	vst v3  }
0x15a: {  	[tilespmem:s4+$0xFFFFFFC0] =	vst v1  }
0x15b: {  	s1 =	rddreg [dreg:$0x10]  }
0x15c: {  	[tilespmem:s22], [sflag:$0x3] =	stream.strided.gather [spmem:s1], $0x580, s19, s18, $0x38;
	[tilespmem:$0x1C600] =	vst v63  }
0x15d: {  	_ =	swait.ge [sflag:s17], $0x580  }
0x15e: {  	[sflag:s17] =	ssyncset.done $0x0  }
0x15f: {  	[sflag:s17] =	ssyncadd.s32 $0xFFFFFA80  }
0x160: {  	s26 =	simm.s32 $0x168C0;
	v2 =	vld [tilespmem:s25+$0x30]  }
0x161: {  	v3 =	vld [tilespmem:s26+$0x30]  }
0x162: {  	v1 =	vld [tilespmem:s26+$0xFFFFFFC0]  }
0x163: {  	v4 =	vld [tilespmem:s25+$0xFFFFFFD0]  }
0x164: {  	v5 =	vld [tilespmem:s26+$0xFFFFFFD0]  }
0x165: {  	v6 =	vld [tilespmem:s25+$0xFFFFFFE0]  }
0x166: {  	v7 =	vld [tilespmem:s26+$0xFFFFFFE0]  }
0x167: {  	v8 =	vld [tilespmem:s25+$0xFFFFFFF0]  }
0x168: {  	v9 =	vld [tilespmem:s26+$0xFFFFFFF0]  }
0x169: {  	v10 =	vld [tilespmem:s25+$0x0]  }
0x16a: {  	v11 =	vld [tilespmem:s26+$0x0];
	v3 =	vadd.f32 v3, v2  }
0x16b: {  	v5 =	vadd.f32 v5, v4;
	v2 =	vld [tilespmem:s25+$0x10]  }
0x16c: {  	v6 =	vadd.f32 v7, v6;
	v4 =	vld [tilespmem:s26+$0x10];
	[tilespmem:s25+$0x30] =	vst v3  }
0x16d: {  	v7 =	vadd.f32 v9, v8;
	[tilespmem:s25+$0xFFFFFFD0] =	vst v5;
	v3 =	vld [tilespmem:s25+$0x20]  }
0x16e: {  	[tilespmem:s25+$0xFFFFFFE0] =	vst v6;
	v6 =	vld [tilespmem:s26+$0x20]  }
0x16f: {  	s28 =	simm.s32 $0x0;
	s29 =	sadd.s32 $0x80, s25;
	s4 =	smov.u32 s25;
	v5 =	vld [tilespmem:s25+$0xFFFFFFC0];
	[tilespmem:s25+$0xFFFFFFF0] =	vst v7;
	v7 =	vadd.f32 v11, v10  }
.LBB2_14:
0x170: {  	v8 =	vld [tilespmem:s29+$0x30];
	s26 =	sadd.s32 $0x80, s26  }
0x171: {  	s28 =	sadd.s32 $0x8, s28;
	v9 =	vld [tilespmem:s26+$0x30];
	[tilespmem:s4+$0x0] =	vst v7;
	v2 =	vadd.f32 v4, v2  }
0x172: {  	p0 =	slt.u32 s28, $0x50;
	v4 =	vld [tilespmem:s26+$0xFFFFFFC0]  }
0x173: {  	v7 =	vld [tilespmem:s29+$0xFFFFFFD0];
	[tilespmem:s4+$0x10] =	vst v2;
	v2 =	vadd.f32 v6, v3  }
0x174: {  	v3 =	vld [tilespmem:s26+$0xFFFFFFD0];
	v10 =	vadd.f32 v1, v5  }
0x175: {  	v5 =	vld [tilespmem:s29+$0xFFFFFFE0];
	[tilespmem:s4+$0x20] =	vst v2  }
0x176: {  	v2 =	vld [tilespmem:s26+$0xFFFFFFE0];
	v6 =	vadd.f32 v9, v8;
	[tilespmem:s4+$0xFFFFFFC0] =	vst v10;
	s4 =	smov.u32 s29  }
0x177: {  	v8 =	vld [tilespmem:s29+$0xFFFFFFF0];
	v1 =	vmov v4  }
0x178: {  	v9 =	vld [tilespmem:s26+$0xFFFFFFF0];
	[tilespmem:s29+$0x30] =	vst v6  }
0x179: {  	v3 =	vadd.f32 v3, v7;
	v7 =	vld [tilespmem:s29+$0x0]  }
0x17a: {  	v10 =	vld [tilespmem:s26+$0x0]  }
.Ltmp6:
0x17b: {  	[tilespmem:s29+$0xFFFFFFD0] =	vst v3;
	v3 =	vadd.f32 v2, v5;
	v2 =	vld [tilespmem:s29+$0x10];
	(pc) =	sbr.rel @p0 .LBB2_14-.Ltmp6, $4  }
0x17c: {  	v4 =	vld [tilespmem:s26+$0x10]  }
0x17d: {  	[tilespmem:s29+$0xFFFFFFE0] =	vst v3;
	v8 =	vadd.f32 v9, v8;
	v3 =	vld [tilespmem:s29+$0x20]  }
0x17e: {  	v6 =	vld [tilespmem:s26+$0x20]  }
0x17f: {  	s29 =	sadd.s32 $0x80, s29;
	v5 =	vld [tilespmem:s4+$0xFFFFFFC0];
	[tilespmem:s4+$0xFFFFFFF0] =	vst v8;
	v7 =	vadd.f32 v10, v7  }
0x180: {  	_ =	sdelay $0x1  }
0x181: {  	v2 =	vadd.f32 v4, v2  }
0x182: {  	[tilespmem:s4+$0x0] =	vst v7;
	v3 =	vadd.f32 v6, v3  }
0x183: {  	[tilespmem:s4+$0x10] =	vst v2;
	v1 =	vadd.f32 v1, v5  }
0x184: {  	[tilespmem:s4+$0x20] =	vst v3  }
0x185: {  	[tilespmem:s4+$0xFFFFFFC0] =	vst v1  }
0x186: {  	s1 =	rddreg [dreg:$0x11]  }
0x187: {  	[tilespmem:s23], [sflag:$0x4] =	stream.strided.gather [spmem:s1], $0x580, s19, s18, $0x38;
	[tilespmem:$0x1C600] =	vst v63  }
0x188: {  	_ =	swait.ge [sflag:s7], $0x580  }
0x189: {  	[sflag:s7] =	ssyncset.done $0x0  }
0x18a: {  	[sflag:s7] =	ssyncadd.s32 $0xFFFFFA80  }
0x18b: {  	s26 =	simm.s32 $0x15840;
	v2 =	vld [tilespmem:s25+$0x30]  }
0x18c: {  	v3 =	vld [tilespmem:s26+$0x30]  }
0x18d: {  	v1 =	vld [tilespmem:s26+$0xFFFFFFC0]  }
0x18e: {  	v4 =	vld [tilespmem:s25+$0xFFFFFFD0]  }
0x18f: {  	v5 =	vld [tilespmem:s26+$0xFFFFFFD0]  }
0x190: {  	v6 =	vld [tilespmem:s25+$0xFFFFFFE0]  }
0x191: {  	v7 =	vld [tilespmem:s26+$0xFFFFFFE0]  }
0x192: {  	v8 =	vld [tilespmem:s25+$0xFFFFFFF0]  }
0x193: {  	v9 =	vld [tilespmem:s26+$0xFFFFFFF0]  }
0x194: {  	v10 =	vld [tilespmem:s25+$0x0]  }
0x195: {  	v11 =	vld [tilespmem:s26+$0x0];
	v3 =	vadd.f32 v3, v2  }
0x196: {  	v5 =	vadd.f32 v5, v4;
	v2 =	vld [tilespmem:s25+$0x10]  }
0x197: {  	v6 =	vadd.f32 v7, v6;
	v4 =	vld [tilespmem:s26+$0x10];
	[tilespmem:s25+$0x30] =	vst v3  }
0x198: {  	v7 =	vadd.f32 v9, v8;
	[tilespmem:s25+$0xFFFFFFD0] =	vst v5;
	v3 =	vld [tilespmem:s25+$0x20]  }
0x199: {  	[tilespmem:s25+$0xFFFFFFE0] =	vst v6;
	v6 =	vld [tilespmem:s26+$0x20]  }
0x19a: {  	s28 =	simm.s32 $0x0;
	s29 =	sadd.s32 $0x80, s25;
	s4 =	smov.u32 s25;
	v5 =	vld [tilespmem:s25+$0xFFFFFFC0];
	[tilespmem:s25+$0xFFFFFFF0] =	vst v7;
	v7 =	vadd.f32 v11, v10  }
.LBB2_16:
0x19b: {  	v8 =	vld [tilespmem:s29+$0x30];
	s26 =	sadd.s32 $0x80, s26  }
0x19c: {  	s28 =	sadd.s32 $0x8, s28;
	v9 =	vld [tilespmem:s26+$0x30];
	[tilespmem:s4+$0x0] =	vst v7;
	v2 =	vadd.f32 v4, v2  }
0x19d: {  	p0 =	slt.u32 s28, $0x50;
	v4 =	vld [tilespmem:s26+$0xFFFFFFC0]  }
0x19e: {  	v7 =	vld [tilespmem:s29+$0xFFFFFFD0];
	[tilespmem:s4+$0x10] =	vst v2;
	v2 =	vadd.f32 v6, v3  }
0x19f: {  	v3 =	vld [tilespmem:s26+$0xFFFFFFD0];
	v10 =	vadd.f32 v1, v5  }
0x1a0: {  	v5 =	vld [tilespmem:s29+$0xFFFFFFE0];
	[tilespmem:s4+$0x20] =	vst v2  }
0x1a1: {  	v2 =	vld [tilespmem:s26+$0xFFFFFFE0];
	v6 =	vadd.f32 v9, v8;
	[tilespmem:s4+$0xFFFFFFC0] =	vst v10;
	s4 =	smov.u32 s29  }
0x1a2: {  	v8 =	vld [tilespmem:s29+$0xFFFFFFF0];
	v1 =	vmov v4  }
0x1a3: {  	v9 =	vld [tilespmem:s26+$0xFFFFFFF0];
	[tilespmem:s29+$0x30] =	vst v6  }
0x1a4: {  	v3 =	vadd.f32 v3, v7;
	v7 =	vld [tilespmem:s29+$0x0]  }
0x1a5: {  	v10 =	vld [tilespmem:s26+$0x0]  }
.Ltmp7:
0x1a6: {  	[tilespmem:s29+$0xFFFFFFD0] =	vst v3;
	v3 =	vadd.f32 v2, v5;
	v2 =	vld [tilespmem:s29+$0x10];
	(pc) =	sbr.rel @p0 .LBB2_16-.Ltmp7, $4  }
0x1a7: {  	v4 =	vld [tilespmem:s26+$0x10]  }
0x1a8: {  	[tilespmem:s29+$0xFFFFFFE0] =	vst v3;
	v8 =	vadd.f32 v9, v8;
	v3 =	vld [tilespmem:s29+$0x20]  }
0x1a9: {  	v6 =	vld [tilespmem:s26+$0x20]  }
0x1aa: {  	s29 =	sadd.s32 $0x80, s29;
	v5 =	vld [tilespmem:s4+$0xFFFFFFC0];
	[tilespmem:s4+$0xFFFFFFF0] =	vst v8;
	v7 =	vadd.f32 v10, v7  }
0x1ab: {  	_ =	sdelay $0x1  }
0x1ac: {  	v2 =	vadd.f32 v4, v2  }
0x1ad: {  	[tilespmem:s4+$0x0] =	vst v7;
	v3 =	vadd.f32 v6, v3  }
0x1ae: {  	[tilespmem:s4+$0x10] =	vst v2;
	v1 =	vadd.f32 v1, v5  }
0x1af: {  	[tilespmem:s4+$0x20] =	vst v3  }
0x1b0: {  	[tilespmem:s4+$0xFFFFFFC0] =	vst v1  }
0x1b1: {  	s1 =	rddreg [dreg:$0x12]  }
0x1b2: {  	[tilespmem:s20], [sflag:$0x1] =	stream.strided.gather [spmem:s1], $0x580, s19, s18, $0x38;
	[tilespmem:$0x1C600] =	vst v63  }
0x1b3: {  	_ =	swait.ge [sflag:s15], $0x580  }
0x1b4: {  	[sflag:s15] =	ssyncset.done $0x0  }
0x1b5: {  	[sflag:s15] =	ssyncadd.s32 $0xFFFFFA80  }
0x1b6: {  	s26 =	simm.s32 $0x15DC0;
	v2 =	vld [tilespmem:s25+$0x30]  }
0x1b7: {  	v3 =	vld [tilespmem:s26+$0x30]  }
0x1b8: {  	v1 =	vld [tilespmem:s26+$0xFFFFFFC0]  }
0x1b9: {  	v4 =	vld [tilespmem:s25+$0xFFFFFFD0]  }
0x1ba: {  	v5 =	vld [tilespmem:s26+$0xFFFFFFD0]  }
0x1bb: {  	v6 =	vld [tilespmem:s25+$0xFFFFFFE0]  }
0x1bc: {  	v7 =	vld [tilespmem:s26+$0xFFFFFFE0]  }
0x1bd: {  	v8 =	vld [tilespmem:s25+$0xFFFFFFF0]  }
0x1be: {  	v9 =	vld [tilespmem:s26+$0xFFFFFFF0]  }
0x1bf: {  	v10 =	vld [tilespmem:s25+$0x0]  }
0x1c0: {  	v11 =	vld [tilespmem:s26+$0x0];
	v3 =	vadd.f32 v3, v2  }
0x1c1: {  	v5 =	vadd.f32 v5, v4;
	v2 =	vld [tilespmem:s25+$0x10]  }
0x1c2: {  	v6 =	vadd.f32 v7, v6;
	v4 =	vld [tilespmem:s26+$0x10];
	[tilespmem:s25+$0x30] =	vst v3  }
0x1c3: {  	v7 =	vadd.f32 v9, v8;
	[tilespmem:s25+$0xFFFFFFD0] =	vst v5;
	v3 =	vld [tilespmem:s25+$0x20]  }
0x1c4: {  	[tilespmem:s25+$0xFFFFFFE0] =	vst v6;
	v6 =	vld [tilespmem:s26+$0x20]  }
0x1c5: {  	s28 =	simm.s32 $0x0;
	s29 =	sadd.s32 $0x80, s25;
	s4 =	smov.u32 s25;
	v5 =	vld [tilespmem:s25+$0xFFFFFFC0];
	[tilespmem:s25+$0xFFFFFFF0] =	vst v7;
	v7 =	vadd.f32 v11, v10  }
.LBB2_18:
0x1c6: {  	v8 =	vld [tilespmem:s29+$0x30];
	s26 =	sadd.s32 $0x80, s26  }
0x1c7: {  	s28 =	sadd.s32 $0x8, s28;
	v9 =	vld [tilespmem:s26+$0x30];
	[tilespmem:s4+$0x0] =	vst v7;
	v2 =	vadd.f32 v4, v2  }
0x1c8: {  	p0 =	slt.u32 s28, $0x50;
	v4 =	vld [tilespmem:s26+$0xFFFFFFC0]  }
0x1c9: {  	v7 =	vld [tilespmem:s29+$0xFFFFFFD0];
	[tilespmem:s4+$0x10] =	vst v2;
	v2 =	vadd.f32 v6, v3  }
0x1ca: {  	v3 =	vld [tilespmem:s26+$0xFFFFFFD0];
	v10 =	vadd.f32 v1, v5  }
0x1cb: {  	v5 =	vld [tilespmem:s29+$0xFFFFFFE0];
	[tilespmem:s4+$0x20] =	vst v2  }
0x1cc: {  	v2 =	vld [tilespmem:s26+$0xFFFFFFE0];
	v6 =	vadd.f32 v9, v8;
	[tilespmem:s4+$0xFFFFFFC0] =	vst v10;
	s4 =	smov.u32 s29  }
0x1cd: {  	v8 =	vld [tilespmem:s29+$0xFFFFFFF0];
	v1 =	vmov v4  }
0x1ce: {  	v9 =	vld [tilespmem:s26+$0xFFFFFFF0];
	[tilespmem:s29+$0x30] =	vst v6  }
0x1cf: {  	v3 =	vadd.f32 v3, v7;
	v7 =	vld [tilespmem:s29+$0x0]  }
0x1d0: {  	v10 =	vld [tilespmem:s26+$0x0]  }
.Ltmp8:
0x1d1: {  	[tilespmem:s29+$0xFFFFFFD0] =	vst v3;
	v3 =	vadd.f32 v2, v5;
	v2 =	vld [tilespmem:s29+$0x10];
	(pc) =	sbr.rel @p0 .LBB2_18-.Ltmp8, $4  }
0x1d2: {  	v4 =	vld [tilespmem:s26+$0x10]  }
0x1d3: {  	[tilespmem:s29+$0xFFFFFFE0] =	vst v3;
	v8 =	vadd.f32 v9, v8;
	v3 =	vld [tilespmem:s29+$0x20]  }
0x1d4: {  	v6 =	vld [tilespmem:s26+$0x20]  }
0x1d5: {  	s29 =	sadd.s32 $0x80, s29;
	v5 =	vld [tilespmem:s4+$0xFFFFFFC0];
	[tilespmem:s4+$0xFFFFFFF0] =	vst v8;
	v7 =	vadd.f32 v10, v7  }
0x1d6: {  	_ =	sdelay $0x1  }
0x1d7: {  	v2 =	vadd.f32 v4, v2  }
0x1d8: {  	[tilespmem:s4+$0x0] =	vst v7;
	v3 =	vadd.f32 v6, v3  }
0x1d9: {  	[tilespmem:s4+$0x10] =	vst v2;
	v1 =	vadd.f32 v1, v5  }
0x1da: {  	[tilespmem:s4+$0x20] =	vst v3  }
0x1db: {  	[tilespmem:s4+$0xFFFFFFC0] =	vst v1  }
0x1dc: {  	s1 =	rddreg [dreg:$0x15]  }
0x1dd: {  	[tilespmem:s21], [sflag:$0x2] =	stream.strided.gather [spmem:s1], $0x580, s19, s18, $0x38;
	[tilespmem:$0x1C600] =	vst v63  }
0x1de: {  	_ =	swait.ge [sflag:s16], $0x580  }
0x1df: {  	[sflag:s16] =	ssyncset.done $0x0  }
0x1e0: {  	[sflag:s16] =	ssyncadd.s32 $0xFFFFFA80  }
0x1e1: {  	s26 =	simm.s32 $0x16340;
	v2 =	vld [tilespmem:s25+$0x30]  }
0x1e2: {  	v3 =	vld [tilespmem:s26+$0x30]  }
0x1e3: {  	v1 =	vld [tilespmem:s26+$0xFFFFFFC0]  }
0x1e4: {  	v4 =	vld [tilespmem:s25+$0xFFFFFFD0]  }
0x1e5: {  	v5 =	vld [tilespmem:s26+$0xFFFFFFD0]  }
0x1e6: {  	v6 =	vld [tilespmem:s25+$0xFFFFFFE0]  }
0x1e7: {  	v7 =	vld [tilespmem:s26+$0xFFFFFFE0]  }
0x1e8: {  	v8 =	vld [tilespmem:s25+$0xFFFFFFF0]  }
0x1e9: {  	v9 =	vld [tilespmem:s26+$0xFFFFFFF0]  }
0x1ea: {  	v10 =	vld [tilespmem:s25+$0x0]  }
0x1eb: {  	v11 =	vld [tilespmem:s26+$0x0];
	v3 =	vadd.f32 v3, v2  }
0x1ec: {  	v5 =	vadd.f32 v5, v4;
	v2 =	vld [tilespmem:s25+$0x10]  }
0x1ed: {  	v6 =	vadd.f32 v7, v6;
	v4 =	vld [tilespmem:s26+$0x10];
	[tilespmem:s25+$0x30] =	vst v3  }
0x1ee: {  	v7 =	vadd.f32 v9, v8;
	[tilespmem:s25+$0xFFFFFFD0] =	vst v5;
	v3 =	vld [tilespmem:s25+$0x20]  }
0x1ef: {  	[tilespmem:s25+$0xFFFFFFE0] =	vst v6;
	v6 =	vld [tilespmem:s26+$0x20]  }
0x1f0: {  	s28 =	simm.s32 $0x0;
	s29 =	sadd.s32 $0x80, s25;
	s4 =	smov.u32 s25;
	v5 =	vld [tilespmem:s25+$0xFFFFFFC0];
	[tilespmem:s25+$0xFFFFFFF0] =	vst v7;
	v7 =	vadd.f32 v11, v10  }
.LBB2_20:
0x1f1: {  	v8 =	vld [tilespmem:s29+$0x30];
	s26 =	sadd.s32 $0x80, s26  }
0x1f2: {  	s28 =	sadd.s32 $0x8, s28;
	v9 =	vld [tilespmem:s26+$0x30];
	[tilespmem:s4+$0x0] =	vst v7;
	v2 =	vadd.f32 v4, v2  }
0x1f3: {  	p0 =	slt.u32 s28, $0x50;
	v4 =	vld [tilespmem:s26+$0xFFFFFFC0]  }
0x1f4: {  	v7 =	vld [tilespmem:s29+$0xFFFFFFD0];
	[tilespmem:s4+$0x10] =	vst v2;
	v2 =	vadd.f32 v6, v3  }
0x1f5: {  	v3 =	vld [tilespmem:s26+$0xFFFFFFD0];
	v10 =	vadd.f32 v1, v5  }
0x1f6: {  	v5 =	vld [tilespmem:s29+$0xFFFFFFE0];
	[tilespmem:s4+$0x20] =	vst v2  }
0x1f7: {  	v2 =	vld [tilespmem:s26+$0xFFFFFFE0];
	v6 =	vadd.f32 v9, v8;
	[tilespmem:s4+$0xFFFFFFC0] =	vst v10;
	s4 =	smov.u32 s29  }
0x1f8: {  	v8 =	vld [tilespmem:s29+$0xFFFFFFF0];
	v1 =	vmov v4  }
0x1f9: {  	v9 =	vld [tilespmem:s26+$0xFFFFFFF0];
	[tilespmem:s29+$0x30] =	vst v6  }
0x1fa: {  	v3 =	vadd.f32 v3, v7;
	v7 =	vld [tilespmem:s29+$0x0]  }
0x1fb: {  	v10 =	vld [tilespmem:s26+$0x0]  }
.Ltmp9:
0x1fc: {  	[tilespmem:s29+$0xFFFFFFD0] =	vst v3;
	v3 =	vadd.f32 v2, v5;
	v2 =	vld [tilespmem:s29+$0x10];
	(pc) =	sbr.rel @p0 .LBB2_20-.Ltmp9, $4  }
0x1fd: {  	v4 =	vld [tilespmem:s26+$0x10]  }
0x1fe: {  	[tilespmem:s29+$0xFFFFFFE0] =	vst v3;
	v8 =	vadd.f32 v9, v8;
	v3 =	vld [tilespmem:s29+$0x20]  }
0x1ff: {  	v6 =	vld [tilespmem:s26+$0x20]  }
0x200: {  	s29 =	sadd.s32 $0x80, s29;
	v5 =	vld [tilespmem:s4+$0xFFFFFFC0];
	[tilespmem:s4+$0xFFFFFFF0] =	vst v8;
	v7 =	vadd.f32 v10, v7  }
0x201: {  	_ =	sdelay $0x1  }
0x202: {  	v2 =	vadd.f32 v4, v2  }
0x203: {  	[tilespmem:s4+$0x0] =	vst v7;
	v3 =	vadd.f32 v6, v3  }
0x204: {  	[tilespmem:s4+$0x10] =	vst v2;
	v1 =	vadd.f32 v1, v5  }
0x205: {  	[tilespmem:s4+$0x20] =	vst v3  }
0x206: {  	[tilespmem:s4+$0xFFFFFFC0] =	vst v1  }
0x207: {  	s1 =	rddreg [dreg:$0x16]  }
0x208: {  	[tilespmem:s22], [sflag:$0x3] =	stream.strided.gather [spmem:s1], $0x580, s19, s18, $0x38;
	[tilespmem:$0x1C600] =	vst v63  }
0x209: {  	_ =	swait.ge [sflag:s17], $0x580  }
0x20a: {  	[sflag:s17] =	ssyncset.done $0x0  }
0x20b: {  	[sflag:s17] =	ssyncadd.s32 $0xFFFFFA80  }
0x20c: {  	s26 =	simm.s32 $0x168C0;
	v2 =	vld [tilespmem:s25+$0x30]  }
0x20d: {  	v3 =	vld [tilespmem:s26+$0x30]  }
0x20e: {  	v1 =	vld [tilespmem:s26+$0xFFFFFFC0]  }
0x20f: {  	v4 =	vld [tilespmem:s25+$0xFFFFFFD0]  }
0x210: {  	v5 =	vld [tilespmem:s26+$0xFFFFFFD0]  }
0x211: {  	v6 =	vld [tilespmem:s25+$0xFFFFFFE0]  }
0x212: {  	v7 =	vld [tilespmem:s26+$0xFFFFFFE0]  }
0x213: {  	v8 =	vld [tilespmem:s25+$0xFFFFFFF0]  }
0x214: {  	v9 =	vld [tilespmem:s26+$0xFFFFFFF0]  }
0x215: {  	v10 =	vld [tilespmem:s25+$0x0]  }
0x216: {  	v11 =	vld [tilespmem:s26+$0x0];
	v3 =	vadd.f32 v3, v2  }
0x217: {  	v5 =	vadd.f32 v5, v4;
	v2 =	vld [tilespmem:s25+$0x10]  }
0x218: {  	v6 =	vadd.f32 v7, v6;
	v4 =	vld [tilespmem:s26+$0x10];
	[tilespmem:s25+$0x30] =	vst v3  }
0x219: {  	v7 =	vadd.f32 v9, v8;
	[tilespmem:s25+$0xFFFFFFD0] =	vst v5;
	v3 =	vld [tilespmem:s25+$0x20]  }
0x21a: {  	[tilespmem:s25+$0xFFFFFFE0] =	vst v6;
	v6 =	vld [tilespmem:s26+$0x20]  }
0x21b: {  	s28 =	simm.s32 $0x0;
	s29 =	sadd.s32 $0x80, s25;
	s4 =	smov.u32 s25;
	v5 =	vld [tilespmem:s25+$0xFFFFFFC0];
	[tilespmem:s25+$0xFFFFFFF0] =	vst v7;
	v7 =	vadd.f32 v11, v10  }
.LBB2_22:
0x21c: {  	v8 =	vld [tilespmem:s29+$0x30];
	s26 =	sadd.s32 $0x80, s26  }
0x21d: {  	s28 =	sadd.s32 $0x8, s28;
	v9 =	vld [tilespmem:s26+$0x30];
	[tilespmem:s4+$0x0] =	vst v7;
	v2 =	vadd.f32 v4, v2  }
0x21e: {  	p0 =	slt.u32 s28, $0x50;
	v4 =	vld [tilespmem:s26+$0xFFFFFFC0]  }
0x21f: {  	v7 =	vld [tilespmem:s29+$0xFFFFFFD0];
	[tilespmem:s4+$0x10] =	vst v2;
	v2 =	vadd.f32 v6, v3  }
0x220: {  	v3 =	vld [tilespmem:s26+$0xFFFFFFD0];
	v10 =	vadd.f32 v1, v5  }
0x221: {  	v5 =	vld [tilespmem:s29+$0xFFFFFFE0];
	[tilespmem:s4+$0x20] =	vst v2  }
0x222: {  	v2 =	vld [tilespmem:s26+$0xFFFFFFE0];
	v6 =	vadd.f32 v9, v8;
	[tilespmem:s4+$0xFFFFFFC0] =	vst v10;
	s4 =	smov.u32 s29  }
0x223: {  	v8 =	vld [tilespmem:s29+$0xFFFFFFF0];
	v1 =	vmov v4  }
0x224: {  	v9 =	vld [tilespmem:s26+$0xFFFFFFF0];
	[tilespmem:s29+$0x30] =	vst v6  }
0x225: {  	v3 =	vadd.f32 v3, v7;
	v7 =	vld [tilespmem:s29+$0x0]  }
0x226: {  	v10 =	vld [tilespmem:s26+$0x0]  }
.Ltmp10:
0x227: {  	[tilespmem:s29+$0xFFFFFFD0] =	vst v3;
	v3 =	vadd.f32 v2, v5;
	v2 =	vld [tilespmem:s29+$0x10];
	(pc) =	sbr.rel @p0 .LBB2_22-.Ltmp10, $4  }
0x228: {  	v4 =	vld [tilespmem:s26+$0x10]  }
0x229: {  	[tilespmem:s29+$0xFFFFFFE0] =	vst v3;
	v8 =	vadd.f32 v9, v8;
	v3 =	vld [tilespmem:s29+$0x20]  }
0x22a: {  	v6 =	vld [tilespmem:s26+$0x20]  }
0x22b: {  	s29 =	sadd.s32 $0x80, s29;
	v5 =	vld [tilespmem:s4+$0xFFFFFFC0];
	[tilespmem:s4+$0xFFFFFFF0] =	vst v8;
	v7 =	vadd.f32 v10, v7  }
0x22c: {  	_ =	sdelay $0x1  }
0x22d: {  	v2 =	vadd.f32 v4, v2  }
0x22e: {  	[tilespmem:s4+$0x0] =	vst v7;
	v3 =	vadd.f32 v6, v3  }
0x22f: {  	[tilespmem:s4+$0x10] =	vst v2;
	v1 =	vadd.f32 v1, v5  }
0x230: {  	[tilespmem:s4+$0x20] =	vst v3  }
0x231: {  	[tilespmem:s4+$0xFFFFFFC0] =	vst v1  }
0x232: {  	s1 =	rddreg [dreg:$0x17]  }
0x233: {  	[tilespmem:s23], [sflag:$0x4] =	stream.strided.gather [spmem:s1], $0x580, s19, s18, $0x38;
	[tilespmem:$0x1C600] =	vst v63  }
0x234: {  	_ =	swait.ge [sflag:s7], $0x580  }
0x235: {  	[sflag:s7] =	ssyncset.done $0x0  }
0x236: {  	[sflag:s7] =	ssyncadd.s32 $0xFFFFFA80  }
0x237: {  	s26 =	simm.s32 $0x15840;
	v2 =	vld [tilespmem:s25+$0x30]  }
0x238: {  	v3 =	vld [tilespmem:s26+$0x30]  }
0x239: {  	v1 =	vld [tilespmem:s26+$0xFFFFFFC0]  }
0x23a: {  	v4 =	vld [tilespmem:s25+$0xFFFFFFD0]  }
0x23b: {  	v5 =	vld [tilespmem:s26+$0xFFFFFFD0]  }
0x23c: {  	v6 =	vld [tilespmem:s25+$0xFFFFFFE0]  }
0x23d: {  	v7 =	vld [tilespmem:s26+$0xFFFFFFE0]  }
0x23e: {  	v8 =	vld [tilespmem:s25+$0xFFFFFFF0]  }
0x23f: {  	v9 =	vld [tilespmem:s26+$0xFFFFFFF0]  }
0x240: {  	v10 =	vld [tilespmem:s25+$0x0]  }
0x241: {  	v11 =	vld [tilespmem:s26+$0x0];
	v3 =	vadd.f32 v3, v2  }
0x242: {  	v5 =	vadd.f32 v5, v4;
	v2 =	vld [tilespmem:s25+$0x10]  }
0x243: {  	v6 =	vadd.f32 v7, v6;
	v4 =	vld [tilespmem:s26+$0x10];
	[tilespmem:s25+$0x30] =	vst v3  }
0x244: {  	v7 =	vadd.f32 v9, v8;
	[tilespmem:s25+$0xFFFFFFD0] =	vst v5;
	v3 =	vld [tilespmem:s25+$0x20]  }
0x245: {  	[tilespmem:s25+$0xFFFFFFE0] =	vst v6;
	v6 =	vld [tilespmem:s26+$0x20]  }
0x246: {  	s28 =	simm.s32 $0x0;
	s29 =	sadd.s32 $0x80, s25;
	s4 =	smov.u32 s25;
	v5 =	vld [tilespmem:s25+$0xFFFFFFC0];
	[tilespmem:s25+$0xFFFFFFF0] =	vst v7;
	v7 =	vadd.f32 v11, v10  }
.LBB2_24:
0x247: {  	v8 =	vld [tilespmem:s29+$0x30];
	s26 =	sadd.s32 $0x80, s26  }
0x248: {  	s28 =	sadd.s32 $0x8, s28;
	v9 =	vld [tilespmem:s26+$0x30];
	[tilespmem:s4+$0x0] =	vst v7;
	v2 =	vadd.f32 v4, v2  }
0x249: {  	p0 =	slt.u32 s28, $0x50;
	v4 =	vld [tilespmem:s26+$0xFFFFFFC0]  }
0x24a: {  	v7 =	vld [tilespmem:s29+$0xFFFFFFD0];
	[tilespmem:s4+$0x10] =	vst v2;
	v2 =	vadd.f32 v6, v3  }
0x24b: {  	v3 =	vld [tilespmem:s26+$0xFFFFFFD0];
	v10 =	vadd.f32 v1, v5  }
0x24c: {  	v5 =	vld [tilespmem:s29+$0xFFFFFFE0];
	[tilespmem:s4+$0x20] =	vst v2  }
0x24d: {  	v2 =	vld [tilespmem:s26+$0xFFFFFFE0];
	v6 =	vadd.f32 v9, v8;
	[tilespmem:s4+$0xFFFFFFC0] =	vst v10;
	s4 =	smov.u32 s29  }
0x24e: {  	v8 =	vld [tilespmem:s29+$0xFFFFFFF0];
	v1 =	vmov v4  }
0x24f: {  	v9 =	vld [tilespmem:s26+$0xFFFFFFF0];
	[tilespmem:s29+$0x30] =	vst v6  }
0x250: {  	v3 =	vadd.f32 v3, v7;
	v7 =	vld [tilespmem:s29+$0x0]  }
0x251: {  	v10 =	vld [tilespmem:s26+$0x0]  }
.Ltmp11:
0x252: {  	[tilespmem:s29+$0xFFFFFFD0] =	vst v3;
	v3 =	vadd.f32 v2, v5;
	v2 =	vld [tilespmem:s29+$0x10];
	(pc) =	sbr.rel @p0 .LBB2_24-.Ltmp11, $4  }
0x253: {  	v4 =	vld [tilespmem:s26+$0x10]  }
0x254: {  	[tilespmem:s29+$0xFFFFFFE0] =	vst v3;
	v8 =	vadd.f32 v9, v8;
	v3 =	vld [tilespmem:s29+$0x20]  }
0x255: {  	v6 =	vld [tilespmem:s26+$0x20]  }
0x256: {  	s29 =	sadd.s32 $0x80, s29;
	v5 =	vld [tilespmem:s4+$0xFFFFFFC0];
	[tilespmem:s4+$0xFFFFFFF0] =	vst v8;
	v7 =	vadd.f32 v10, v7  }
0x257: {  	_ =	sdelay $0x1  }
0x258: {  	v2 =	vadd.f32 v4, v2  }
0x259: {  	[tilespmem:s4+$0x0] =	vst v7;
	v3 =	vadd.f32 v6, v3  }
0x25a: {  	[tilespmem:s4+$0x10] =	vst v2;
	v1 =	vadd.f32 v1, v5  }
0x25b: {  	[tilespmem:s4+$0x20] =	vst v3  }
0x25c: {  	[tilespmem:s4+$0xFFFFFFC0] =	vst v1  }
0x25d: {  	s1 =	rddreg [dreg:$0x18]  }
0x25e: {  	[tilespmem:s20], [sflag:$0x1] =	stream.strided.gather [spmem:s1], $0x580, s19, s18, $0x38;
	[tilespmem:$0x1C600] =	vst v63  }
0x25f: {  	_ =	swait.ge [sflag:s15], $0x580  }
0x260: {  	[sflag:s15] =	ssyncset.done $0x0  }
0x261: {  	[sflag:s15] =	ssyncadd.s32 $0xFFFFFA80  }
0x262: {  	s26 =	simm.s32 $0x15DC0;
	v2 =	vld [tilespmem:s25+$0x30]  }
0x263: {  	v3 =	vld [tilespmem:s26+$0x30]  }
0x264: {  	v1 =	vld [tilespmem:s26+$0xFFFFFFC0]  }
0x265: {  	v4 =	vld [tilespmem:s25+$0xFFFFFFD0]  }
0x266: {  	v5 =	vld [tilespmem:s26+$0xFFFFFFD0]  }
0x267: {  	v6 =	vld [tilespmem:s25+$0xFFFFFFE0]  }
0x268: {  	v7 =	vld [tilespmem:s26+$0xFFFFFFE0]  }
0x269: {  	v8 =	vld [tilespmem:s25+$0xFFFFFFF0]  }
0x26a: {  	v9 =	vld [tilespmem:s26+$0xFFFFFFF0]  }
0x26b: {  	v10 =	vld [tilespmem:s25+$0x0]  }
0x26c: {  	v11 =	vld [tilespmem:s26+$0x0];
	v3 =	vadd.f32 v3, v2  }
0x26d: {  	v5 =	vadd.f32 v5, v4;
	v2 =	vld [tilespmem:s25+$0x10]  }
0x26e: {  	v6 =	vadd.f32 v7, v6;
	v4 =	vld [tilespmem:s26+$0x10];
	[tilespmem:s25+$0x30] =	vst v3  }
0x26f: {  	v7 =	vadd.f32 v9, v8;
	[tilespmem:s25+$0xFFFFFFD0] =	vst v5;
	v3 =	vld [tilespmem:s25+$0x20]  }
0x270: {  	[tilespmem:s25+$0xFFFFFFE0] =	vst v6;
	v6 =	vld [tilespmem:s26+$0x20]  }
0x271: {  	s28 =	simm.s32 $0x0;
	s29 =	sadd.s32 $0x80, s25;
	s4 =	smov.u32 s25;
	v5 =	vld [tilespmem:s25+$0xFFFFFFC0];
	[tilespmem:s25+$0xFFFFFFF0] =	vst v7;
	v7 =	vadd.f32 v11, v10  }
.LBB2_26:
0x272: {  	v8 =	vld [tilespmem:s29+$0x30];
	s26 =	sadd.s32 $0x80, s26  }
0x273: {  	s28 =	sadd.s32 $0x8, s28;
	v9 =	vld [tilespmem:s26+$0x30];
	[tilespmem:s4+$0x0] =	vst v7;
	v2 =	vadd.f32 v4, v2  }
0x274: {  	p0 =	slt.u32 s28, $0x50;
	v4 =	vld [tilespmem:s26+$0xFFFFFFC0]  }
0x275: {  	v7 =	vld [tilespmem:s29+$0xFFFFFFD0];
	[tilespmem:s4+$0x10] =	vst v2;
	v2 =	vadd.f32 v6, v3  }
0x276: {  	v3 =	vld [tilespmem:s26+$0xFFFFFFD0];
	v10 =	vadd.f32 v1, v5  }
0x277: {  	v5 =	vld [tilespmem:s29+$0xFFFFFFE0];
	[tilespmem:s4+$0x20] =	vst v2  }
0x278: {  	v2 =	vld [tilespmem:s26+$0xFFFFFFE0];
	v6 =	vadd.f32 v9, v8;
	[tilespmem:s4+$0xFFFFFFC0] =	vst v10;
	s4 =	smov.u32 s29  }
0x279: {  	v8 =	vld [tilespmem:s29+$0xFFFFFFF0];
	v1 =	vmov v4  }
0x27a: {  	v9 =	vld [tilespmem:s26+$0xFFFFFFF0];
	[tilespmem:s29+$0x30] =	vst v6  }
0x27b: {  	v3 =	vadd.f32 v3, v7;
	v7 =	vld [tilespmem:s29+$0x0]  }
0x27c: {  	v10 =	vld [tilespmem:s26+$0x0]  }
.Ltmp12:
0x27d: {  	[tilespmem:s29+$0xFFFFFFD0] =	vst v3;
	v3 =	vadd.f32 v2, v5;
	v2 =	vld [tilespmem:s29+$0x10];
	(pc) =	sbr.rel @p0 .LBB2_26-.Ltmp12, $4  }
0x27e: {  	v4 =	vld [tilespmem:s26+$0x10]  }
0x27f: {  	[tilespmem:s29+$0xFFFFFFE0] =	vst v3;
	v8 =	vadd.f32 v9, v8;
	v3 =	vld [tilespmem:s29+$0x20]  }
0x280: {  	v6 =	vld [tilespmem:s26+$0x20]  }
0x281: {  	s29 =	sadd.s32 $0x80, s29;
	v5 =	vld [tilespmem:s4+$0xFFFFFFC0];
	[tilespmem:s4+$0xFFFFFFF0] =	vst v8;
	v7 =	vadd.f32 v10, v7  }
0x282: {  	_ =	sdelay $0x1  }
0x283: {  	v2 =	vadd.f32 v4, v2  }
0x284: {  	[tilespmem:s4+$0x0] =	vst v7;
	v3 =	vadd.f32 v6, v3  }
0x285: {  	[tilespmem:s4+$0x10] =	vst v2;
	v1 =	vadd.f32 v1, v5  }
0x286: {  	[tilespmem:s4+$0x20] =	vst v3  }
0x287: {  	[tilespmem:s4+$0xFFFFFFC0] =	vst v1  }
0x288: {  	s1 =	rddreg [dreg:$0x19]  }
0x289: {  	[tilespmem:s21], [sflag:$0x2] =	stream.strided.gather [spmem:s1], $0x580, s19, s18, $0x38;
	[tilespmem:$0x1C600] =	vst v63  }
0x28a: {  	_ =	swait.ge [sflag:s16], $0x580  }
0x28b: {  	[sflag:s16] =	ssyncset.done $0x0  }
0x28c: {  	[sflag:s16] =	ssyncadd.s32 $0xFFFFFA80  }
0x28d: {  	s26 =	simm.s32 $0x16340;
	v2 =	vld [tilespmem:s25+$0x30]  }
0x28e: {  	v3 =	vld [tilespmem:s26+$0x30]  }
0x28f: {  	v1 =	vld [tilespmem:s26+$0xFFFFFFC0]  }
0x290: {  	v4 =	vld [tilespmem:s25+$0xFFFFFFD0]  }
0x291: {  	v5 =	vld [tilespmem:s26+$0xFFFFFFD0]  }
0x292: {  	v6 =	vld [tilespmem:s25+$0xFFFFFFE0]  }
0x293: {  	v7 =	vld [tilespmem:s26+$0xFFFFFFE0]  }
0x294: {  	v8 =	vld [tilespmem:s25+$0xFFFFFFF0]  }
0x295: {  	v9 =	vld [tilespmem:s26+$0xFFFFFFF0]  }
0x296: {  	v10 =	vld [tilespmem:s25+$0x0]  }
0x297: {  	v11 =	vld [tilespmem:s26+$0x0];
	v3 =	vadd.f32 v3, v2  }
0x298: {  	v5 =	vadd.f32 v5, v4;
	v2 =	vld [tilespmem:s25+$0x10]  }
0x299: {  	v6 =	vadd.f32 v7, v6;
	v4 =	vld [tilespmem:s26+$0x10];
	[tilespmem:s25+$0x30] =	vst v3  }
0x29a: {  	v7 =	vadd.f32 v9, v8;
	[tilespmem:s25+$0xFFFFFFD0] =	vst v5;
	v3 =	vld [tilespmem:s25+$0x20]  }
0x29b: {  	[tilespmem:s25+$0xFFFFFFE0] =	vst v6;
	v6 =	vld [tilespmem:s26+$0x20]  }
0x29c: {  	s28 =	simm.s32 $0x0;
	s29 =	sadd.s32 $0x80, s25;
	s4 =	smov.u32 s25;
	v5 =	vld [tilespmem:s25+$0xFFFFFFC0];
	[tilespmem:s25+$0xFFFFFFF0] =	vst v7;
	v7 =	vadd.f32 v11, v10  }
.LBB2_28:
0x29d: {  	v8 =	vld [tilespmem:s29+$0x30];
	s26 =	sadd.s32 $0x80, s26  }
0x29e: {  	s28 =	sadd.s32 $0x8, s28;
	v9 =	vld [tilespmem:s26+$0x30];
	[tilespmem:s4+$0x0] =	vst v7;
	v2 =	vadd.f32 v4, v2  }
0x29f: {  	p0 =	slt.u32 s28, $0x50;
	v4 =	vld [tilespmem:s26+$0xFFFFFFC0]  }
0x2a0: {  	v7 =	vld [tilespmem:s29+$0xFFFFFFD0];
	[tilespmem:s4+$0x10] =	vst v2;
	v2 =	vadd.f32 v6, v3  }
0x2a1: {  	v3 =	vld [tilespmem:s26+$0xFFFFFFD0];
	v10 =	vadd.f32 v1, v5  }
0x2a2: {  	v5 =	vld [tilespmem:s29+$0xFFFFFFE0];
	[tilespmem:s4+$0x20] =	vst v2  }
0x2a3: {  	v2 =	vld [tilespmem:s26+$0xFFFFFFE0];
	v6 =	vadd.f32 v9, v8;
	[tilespmem:s4+$0xFFFFFFC0] =	vst v10;
	s4 =	smov.u32 s29  }
0x2a4: {  	v8 =	vld [tilespmem:s29+$0xFFFFFFF0];
	v1 =	vmov v4  }
0x2a5: {  	v9 =	vld [tilespmem:s26+$0xFFFFFFF0];
	[tilespmem:s29+$0x30] =	vst v6  }
0x2a6: {  	v3 =	vadd.f32 v3, v7;
	v7 =	vld [tilespmem:s29+$0x0]  }
0x2a7: {  	v10 =	vld [tilespmem:s26+$0x0]  }
.Ltmp13:
0x2a8: {  	[tilespmem:s29+$0xFFFFFFD0] =	vst v3;
	v3 =	vadd.f32 v2, v5;
	v2 =	vld [tilespmem:s29+$0x10];
	(pc) =	sbr.rel @p0 .LBB2_28-.Ltmp13, $4  }
0x2a9: {  	v4 =	vld [tilespmem:s26+$0x10]  }
0x2aa: {  	[tilespmem:s29+$0xFFFFFFE0] =	vst v3;
	v8 =	vadd.f32 v9, v8;
	v3 =	vld [tilespmem:s29+$0x20]  }
0x2ab: {  	v6 =	vld [tilespmem:s26+$0x20]  }
0x2ac: {  	s29 =	sadd.s32 $0x80, s29;
	v5 =	vld [tilespmem:s4+$0xFFFFFFC0];
	[tilespmem:s4+$0xFFFFFFF0] =	vst v8;
	v7 =	vadd.f32 v10, v7  }
0x2ad: {  	_ =	sdelay $0x1  }
0x2ae: {  	v2 =	vadd.f32 v4, v2  }
0x2af: {  	[tilespmem:s4+$0x0] =	vst v7;
	v3 =	vadd.f32 v6, v3  }
0x2b0: {  	[tilespmem:s4+$0x10] =	vst v2;
	v1 =	vadd.f32 v1, v5  }
0x2b1: {  	[tilespmem:s4+$0x20] =	vst v3  }
0x2b2: {  	[tilespmem:s4+$0xFFFFFFC0] =	vst v1  }
0x2b3: {  	s1 =	rddreg [dreg:$0x1a]  }
0x2b4: {  	[tilespmem:s22], [sflag:$0x3] =	stream.strided.gather [spmem:s1], $0x580, s19, s18, $0x38;
	[tilespmem:$0x1C600] =	vst v63  }
0x2b5: {  	_ =	swait.ge [sflag:s17], $0x580  }
0x2b6: {  	[sflag:s17] =	ssyncset.done $0x0  }
0x2b7: {  	[sflag:s17] =	ssyncadd.s32 $0xFFFFFA80  }
0x2b8: {  	s26 =	simm.s32 $0x168C0;
	v2 =	vld [tilespmem:s25+$0x30]  }
0x2b9: {  	v3 =	vld [tilespmem:s26+$0x30]  }
0x2ba: {  	v1 =	vld [tilespmem:s26+$0xFFFFFFC0]  }
0x2bb: {  	v4 =	vld [tilespmem:s25+$0xFFFFFFD0]  }
0x2bc: {  	v5 =	vld [tilespmem:s26+$0xFFFFFFD0]  }
0x2bd: {  	v6 =	vld [tilespmem:s25+$0xFFFFFFE0]  }
0x2be: {  	v7 =	vld [tilespmem:s26+$0xFFFFFFE0]  }
0x2bf: {  	v8 =	vld [tilespmem:s25+$0xFFFFFFF0]  }
0x2c0: {  	v9 =	vld [tilespmem:s26+$0xFFFFFFF0]  }
0x2c1: {  	v10 =	vld [tilespmem:s25+$0x0]  }
0x2c2: {  	v11 =	vld [tilespmem:s26+$0x0];
	v3 =	vadd.f32 v3, v2  }
0x2c3: {  	v5 =	vadd.f32 v5, v4;
	v2 =	vld [tilespmem:s25+$0x10]  }
0x2c4: {  	v6 =	vadd.f32 v7, v6;
	v4 =	vld [tilespmem:s26+$0x10];
	[tilespmem:s25+$0x30] =	vst v3  }
0x2c5: {  	v7 =	vadd.f32 v9, v8;
	[tilespmem:s25+$0xFFFFFFD0] =	vst v5;
	v3 =	vld [tilespmem:s25+$0x20]  }
0x2c6: {  	[tilespmem:s25+$0xFFFFFFE0] =	vst v6;
	v6 =	vld [tilespmem:s26+$0x20]  }
0x2c7: {  	s28 =	simm.s32 $0x0;
	s29 =	sadd.s32 $0x80, s25;
	s4 =	smov.u32 s25;
	v5 =	vld [tilespmem:s25+$0xFFFFFFC0];
	[tilespmem:s25+$0xFFFFFFF0] =	vst v7;
	v7 =	vadd.f32 v11, v10  }
.LBB2_30:
0x2c8: {  	v8 =	vld [tilespmem:s29+$0x30];
	s26 =	sadd.s32 $0x80, s26  }
0x2c9: {  	s28 =	sadd.s32 $0x8, s28;
	v9 =	vld [tilespmem:s26+$0x30];
	[tilespmem:s4+$0x0] =	vst v7;
	v2 =	vadd.f32 v4, v2  }
0x2ca: {  	p0 =	slt.u32 s28, $0x50;
	v4 =	vld [tilespmem:s26+$0xFFFFFFC0]  }
0x2cb: {  	v7 =	vld [tilespmem:s29+$0xFFFFFFD0];
	[tilespmem:s4+$0x10] =	vst v2;
	v2 =	vadd.f32 v6, v3  }
0x2cc: {  	v3 =	vld [tilespmem:s26+$0xFFFFFFD0];
	v10 =	vadd.f32 v1, v5  }
0x2cd: {  	v5 =	vld [tilespmem:s29+$0xFFFFFFE0];
	[tilespmem:s4+$0x20] =	vst v2  }
0x2ce: {  	v2 =	vld [tilespmem:s26+$0xFFFFFFE0];
	v6 =	vadd.f32 v9, v8;
	[tilespmem:s4+$0xFFFFFFC0] =	vst v10;
	s4 =	smov.u32 s29  }
0x2cf: {  	v8 =	vld [tilespmem:s29+$0xFFFFFFF0];
	v1 =	vmov v4  }
0x2d0: {  	v9 =	vld [tilespmem:s26+$0xFFFFFFF0];
	[tilespmem:s29+$0x30] =	vst v6  }
0x2d1: {  	v3 =	vadd.f32 v3, v7;
	v7 =	vld [tilespmem:s29+$0x0]  }
0x2d2: {  	v10 =	vld [tilespmem:s26+$0x0]  }
.Ltmp14:
0x2d3: {  	[tilespmem:s29+$0xFFFFFFD0] =	vst v3;
	v3 =	vadd.f32 v2, v5;
	v2 =	vld [tilespmem:s29+$0x10];
	(pc) =	sbr.rel @p0 .LBB2_30-.Ltmp14, $4  }
0x2d4: {  	v4 =	vld [tilespmem:s26+$0x10]  }
0x2d5: {  	[tilespmem:s29+$0xFFFFFFE0] =	vst v3;
	v8 =	vadd.f32 v9, v8;
	v3 =	vld [tilespmem:s29+$0x20]  }
0x2d6: {  	v6 =	vld [tilespmem:s26+$0x20]  }
0x2d7: {  	s29 =	sadd.s32 $0x80, s29;
	v5 =	vld [tilespmem:s4+$0xFFFFFFC0];
	[tilespmem:s4+$0xFFFFFFF0] =	vst v8;
	v7 =	vadd.f32 v10, v7  }
0x2d8: {  	_ =	sdelay $0x1  }
0x2d9: {  	v2 =	vadd.f32 v4, v2  }
0x2da: {  	[tilespmem:s4+$0x0] =	vst v7;
	v3 =	vadd.f32 v6, v3  }
0x2db: {  	[tilespmem:s4+$0x10] =	vst v2;
	v1 =	vadd.f32 v1, v5  }
0x2dc: {  	[tilespmem:s4+$0x20] =	vst v3  }
0x2dd: {  	[tilespmem:s4+$0xFFFFFFC0] =	vst v1  }
0x2de: {  	s1 =	rddreg [dreg:$0x1b]  }
0x2df: {  	[tilespmem:s23], [sflag:$0x4] =	stream.strided.gather [spmem:s1], $0x580, s19, s18, $0x38;
	[tilespmem:$0x1C600] =	vst v63  }
0x2e0: {  	_ =	swait.ge [sflag:s7], $0x580  }
0x2e1: {  	[sflag:s7] =	ssyncset.done $0x0  }
0x2e2: {  	[sflag:s7] =	ssyncadd.s32 $0xFFFFFA80  }
0x2e3: {  	s26 =	simm.s32 $0x15840;
	v2 =	vld [tilespmem:s25+$0x30]  }
0x2e4: {  	v3 =	vld [tilespmem:s26+$0x30]  }
0x2e5: {  	v1 =	vld [tilespmem:s26+$0xFFFFFFC0]  }
0x2e6: {  	v4 =	vld [tilespmem:s25+$0xFFFFFFD0]  }
0x2e7: {  	v5 =	vld [tilespmem:s26+$0xFFFFFFD0]  }
0x2e8: {  	v6 =	vld [tilespmem:s25+$0xFFFFFFE0]  }
0x2e9: {  	v7 =	vld [tilespmem:s26+$0xFFFFFFE0]  }
0x2ea: {  	v8 =	vld [tilespmem:s25+$0xFFFFFFF0]  }
0x2eb: {  	v9 =	vld [tilespmem:s26+$0xFFFFFFF0]  }
0x2ec: {  	v10 =	vld [tilespmem:s25+$0x0]  }
0x2ed: {  	v11 =	vld [tilespmem:s26+$0x0];
	v3 =	vadd.f32 v3, v2  }
0x2ee: {  	v5 =	vadd.f32 v5, v4;
	v2 =	vld [tilespmem:s25+$0x10]  }
0x2ef: {  	v6 =	vadd.f32 v7, v6;
	v4 =	vld [tilespmem:s26+$0x10];
	[tilespmem:s25+$0x30] =	vst v3  }
0x2f0: {  	v7 =	vadd.f32 v9, v8;
	[tilespmem:s25+$0xFFFFFFD0] =	vst v5;
	v3 =	vld [tilespmem:s25+$0x20]  }
0x2f1: {  	[tilespmem:s25+$0xFFFFFFE0] =	vst v6;
	v6 =	vld [tilespmem:s26+$0x20]  }
0x2f2: {  	s28 =	simm.s32 $0x0;
	s29 =	sadd.s32 $0x80, s25;
	s4 =	smov.u32 s25;
	v5 =	vld [tilespmem:s25+$0xFFFFFFC0];
	[tilespmem:s25+$0xFFFFFFF0] =	vst v7;
	v7 =	vadd.f32 v11, v10  }
.LBB2_32:
0x2f3: {  	v8 =	vld [tilespmem:s29+$0x30];
	s26 =	sadd.s32 $0x80, s26  }
0x2f4: {  	s28 =	sadd.s32 $0x8, s28;
	v9 =	vld [tilespmem:s26+$0x30];
	[tilespmem:s4+$0x0] =	vst v7;
	v2 =	vadd.f32 v4, v2  }
0x2f5: {  	p0 =	slt.u32 s28, $0x50;
	v4 =	vld [tilespmem:s26+$0xFFFFFFC0]  }
0x2f6: {  	v7 =	vld [tilespmem:s29+$0xFFFFFFD0];
	[tilespmem:s4+$0x10] =	vst v2;
	v2 =	vadd.f32 v6, v3  }
0x2f7: {  	v3 =	vld [tilespmem:s26+$0xFFFFFFD0];
	v10 =	vadd.f32 v1, v5  }
0x2f8: {  	v5 =	vld [tilespmem:s29+$0xFFFFFFE0];
	[tilespmem:s4+$0x20] =	vst v2  }
0x2f9: {  	v2 =	vld [tilespmem:s26+$0xFFFFFFE0];
	v6 =	vadd.f32 v9, v8;
	[tilespmem:s4+$0xFFFFFFC0] =	vst v10;
	s4 =	smov.u32 s29  }
0x2fa: {  	v8 =	vld [tilespmem:s29+$0xFFFFFFF0];
	v1 =	vmov v4  }
0x2fb: {  	v9 =	vld [tilespmem:s26+$0xFFFFFFF0];
	[tilespmem:s29+$0x30] =	vst v6  }
0x2fc: {  	v3 =	vadd.f32 v3, v7;
	v7 =	vld [tilespmem:s29+$0x0]  }
0x2fd: {  	v10 =	vld [tilespmem:s26+$0x0]  }
.Ltmp15:
0x2fe: {  	[tilespmem:s29+$0xFFFFFFD0] =	vst v3;
	v3 =	vadd.f32 v2, v5;
	v2 =	vld [tilespmem:s29+$0x10];
	(pc) =	sbr.rel @p0 .LBB2_32-.Ltmp15, $4  }
0x2ff: {  	v4 =	vld [tilespmem:s26+$0x10]  }
0x300: {  	[tilespmem:s29+$0xFFFFFFE0] =	vst v3;
	v8 =	vadd.f32 v9, v8;
	v3 =	vld [tilespmem:s29+$0x20]  }
0x301: {  	v6 =	vld [tilespmem:s26+$0x20]  }
0x302: {  	s29 =	sadd.s32 $0x80, s29;
	v5 =	vld [tilespmem:s4+$0xFFFFFFC0];
	[tilespmem:s4+$0xFFFFFFF0] =	vst v8;
	v7 =	vadd.f32 v10, v7  }
0x303: {  	_ =	sdelay $0x1  }
0x304: {  	v2 =	vadd.f32 v4, v2  }
0x305: {  	[tilespmem:s4+$0x0] =	vst v7;
	v3 =	vadd.f32 v6, v3  }
0x306: {  	[tilespmem:s4+$0x10] =	vst v2;
	v1 =	vadd.f32 v1, v5  }
0x307: {  	[tilespmem:s4+$0x20] =	vst v3  }
0x308: {  	[tilespmem:s4+$0xFFFFFFC0] =	vst v1  }
0x309: {  	_ =	swait.ge [sflag:s15], $0x580  }
0x30a: {  	[sflag:s15] =	ssyncset.done $0x0  }
0x30b: {  	[sflag:s15] =	ssyncadd.s32 $0xFFFFFA80  }
0x30c: {  	s26 =	simm.s32 $0x15DC0;
	v2 =	vld [tilespmem:s25+$0x30]  }
0x30d: {  	v3 =	vld [tilespmem:s26+$0x30]  }
0x30e: {  	v1 =	vld [tilespmem:s26+$0xFFFFFFC0]  }
0x30f: {  	v4 =	vld [tilespmem:s25+$0xFFFFFFD0]  }
0x310: {  	v5 =	vld [tilespmem:s26+$0xFFFFFFD0]  }
0x311: {  	v6 =	vld [tilespmem:s25+$0xFFFFFFE0]  }
0x312: {  	v7 =	vld [tilespmem:s26+$0xFFFFFFE0]  }
0x313: {  	v8 =	vld [tilespmem:s25+$0xFFFFFFF0]  }
0x314: {  	v9 =	vld [tilespmem:s26+$0xFFFFFFF0]  }
0x315: {  	v10 =	vld [tilespmem:s25+$0x0]  }
0x316: {  	v11 =	vld [tilespmem:s26+$0x0];
	v3 =	vadd.f32 v3, v2  }
0x317: {  	v5 =	vadd.f32 v5, v4;
	v2 =	vld [tilespmem:s25+$0x10]  }
0x318: {  	v6 =	vadd.f32 v7, v6;
	v4 =	vld [tilespmem:s26+$0x10];
	[tilespmem:s25+$0x30] =	vst v3  }
0x319: {  	v7 =	vadd.f32 v9, v8;
	[tilespmem:s25+$0xFFFFFFD0] =	vst v5;
	v3 =	vld [tilespmem:s25+$0x20]  }
0x31a: {  	[tilespmem:s25+$0xFFFFFFE0] =	vst v6;
	v6 =	vld [tilespmem:s26+$0x20]  }
0x31b: {  	s28 =	simm.s32 $0x0;
	s29 =	sadd.s32 $0x80, s25;
	s4 =	smov.u32 s25;
	v5 =	vld [tilespmem:s25+$0xFFFFFFC0];
	[tilespmem:s25+$0xFFFFFFF0] =	vst v7;
	v7 =	vadd.f32 v11, v10  }
.LBB2_34:
0x31c: {  	v8 =	vld [tilespmem:s29+$0x30];
	s26 =	sadd.s32 $0x80, s26  }
0x31d: {  	s28 =	sadd.s32 $0x8, s28;
	v9 =	vld [tilespmem:s26+$0x30];
	[tilespmem:s4+$0x0] =	vst v7;
	v2 =	vadd.f32 v4, v2  }
0x31e: {  	p0 =	slt.u32 s28, $0x50;
	v4 =	vld [tilespmem:s26+$0xFFFFFFC0]  }
0x31f: {  	v7 =	vld [tilespmem:s29+$0xFFFFFFD0];
	[tilespmem:s4+$0x10] =	vst v2;
	v2 =	vadd.f32 v6, v3  }
0x320: {  	v3 =	vld [tilespmem:s26+$0xFFFFFFD0];
	v10 =	vadd.f32 v1, v5  }
0x321: {  	v5 =	vld [tilespmem:s29+$0xFFFFFFE0];
	[tilespmem:s4+$0x20] =	vst v2  }
0x322: {  	v2 =	vld [tilespmem:s26+$0xFFFFFFE0];
	v6 =	vadd.f32 v9, v8;
	[tilespmem:s4+$0xFFFFFFC0] =	vst v10;
	s4 =	smov.u32 s29  }
0x323: {  	v8 =	vld [tilespmem:s29+$0xFFFFFFF0];
	v1 =	vmov v4  }
0x324: {  	v9 =	vld [tilespmem:s26+$0xFFFFFFF0];
	[tilespmem:s29+$0x30] =	vst v6  }
0x325: {  	v3 =	vadd.f32 v3, v7;
	v7 =	vld [tilespmem:s29+$0x0]  }
0x326: {  	v10 =	vld [tilespmem:s26+$0x0]  }
.Ltmp16:
0x327: {  	[tilespmem:s29+$0xFFFFFFD0] =	vst v3;
	v3 =	vadd.f32 v2, v5;
	v2 =	vld [tilespmem:s29+$0x10];
	(pc) =	sbr.rel @p0 .LBB2_34-.Ltmp16, $4  }
0x328: {  	v4 =	vld [tilespmem:s26+$0x10]  }
0x329: {  	[tilespmem:s29+$0xFFFFFFE0] =	vst v3;
	v8 =	vadd.f32 v9, v8;
	v3 =	vld [tilespmem:s29+$0x20]  }
0x32a: {  	v6 =	vld [tilespmem:s26+$0x20]  }
0x32b: {  	s29 =	sadd.s32 $0x80, s29;
	v5 =	vld [tilespmem:s4+$0xFFFFFFC0];
	[tilespmem:s4+$0xFFFFFFF0] =	vst v8;
	v7 =	vadd.f32 v10, v7  }
0x32c: {  	_ =	sdelay $0x1  }
0x32d: {  	v2 =	vadd.f32 v4, v2  }
0x32e: {  	[tilespmem:s4+$0x0] =	vst v7;
	v3 =	vadd.f32 v6, v3  }
0x32f: {  	[tilespmem:s4+$0x10] =	vst v2;
	v1 =	vadd.f32 v1, v5  }
0x330: {  	[tilespmem:s4+$0x20] =	vst v3  }
0x331: {  	[tilespmem:s4+$0xFFFFFFC0] =	vst v1  }
0x332: {  	_ =	swait.ge [sflag:s16], $0x580  }
0x333: {  	[sflag:s16] =	ssyncset.done $0x0  }
0x334: {  	[sflag:s16] =	ssyncadd.s32 $0xFFFFFA80  }
0x335: {  	s26 =	simm.s32 $0x16340;
	v2 =	vld [tilespmem:s25+$0x30]  }
0x336: {  	v3 =	vld [tilespmem:s26+$0x30]  }
0x337: {  	v1 =	vld [tilespmem:s26+$0xFFFFFFC0]  }
0x338: {  	v4 =	vld [tilespmem:s25+$0xFFFFFFD0]  }
0x339: {  	v5 =	vld [tilespmem:s26+$0xFFFFFFD0]  }
0x33a: {  	v6 =	vld [tilespmem:s25+$0xFFFFFFE0]  }
0x33b: {  	v7 =	vld [tilespmem:s26+$0xFFFFFFE0]  }
0x33c: {  	v8 =	vld [tilespmem:s25+$0xFFFFFFF0]  }
0x33d: {  	v9 =	vld [tilespmem:s26+$0xFFFFFFF0]  }
0x33e: {  	v10 =	vld [tilespmem:s25+$0x0]  }
0x33f: {  	v11 =	vld [tilespmem:s26+$0x0];
	v3 =	vadd.f32 v3, v2  }
0x340: {  	v5 =	vadd.f32 v5, v4;
	v2 =	vld [tilespmem:s25+$0x10]  }
0x341: {  	v6 =	vadd.f32 v7, v6;
	v4 =	vld [tilespmem:s26+$0x10];
	[tilespmem:s25+$0x30] =	vst v3  }
0x342: {  	v7 =	vadd.f32 v9, v8;
	[tilespmem:s25+$0xFFFFFFD0] =	vst v5;
	v3 =	vld [tilespmem:s25+$0x20]  }
0x343: {  	[tilespmem:s25+$0xFFFFFFE0] =	vst v6;
	v6 =	vld [tilespmem:s26+$0x20]  }
0x344: {  	s28 =	simm.s32 $0x0;
	s29 =	sadd.s32 $0x80, s25;
	s4 =	smov.u32 s25;
	v5 =	vld [tilespmem:s25+$0xFFFFFFC0];
	[tilespmem:s25+$0xFFFFFFF0] =	vst v7;
	v7 =	vadd.f32 v11, v10  }
.LBB2_36:
0x345: {  	v8 =	vld [tilespmem:s29+$0x30];
	s26 =	sadd.s32 $0x80, s26  }
0x346: {  	s28 =	sadd.s32 $0x8, s28;
	v9 =	vld [tilespmem:s26+$0x30];
	[tilespmem:s4+$0x0] =	vst v7;
	v2 =	vadd.f32 v4, v2  }
0x347: {  	p0 =	slt.u32 s28, $0x50;
	v4 =	vld [tilespmem:s26+$0xFFFFFFC0]  }
0x348: {  	v7 =	vld [tilespmem:s29+$0xFFFFFFD0];
	[tilespmem:s4+$0x10] =	vst v2;
	v2 =	vadd.f32 v6, v3  }
0x349: {  	v3 =	vld [tilespmem:s26+$0xFFFFFFD0];
	v10 =	vadd.f32 v1, v5  }
0x34a: {  	v5 =	vld [tilespmem:s29+$0xFFFFFFE0];
	[tilespmem:s4+$0x20] =	vst v2  }
0x34b: {  	v2 =	vld [tilespmem:s26+$0xFFFFFFE0];
	v6 =	vadd.f32 v9, v8;
	[tilespmem:s4+$0xFFFFFFC0] =	vst v10;
	s4 =	smov.u32 s29  }
0x34c: {  	v8 =	vld [tilespmem:s29+$0xFFFFFFF0];
	v1 =	vmov v4  }
0x34d: {  	v9 =	vld [tilespmem:s26+$0xFFFFFFF0];
	[tilespmem:s29+$0x30] =	vst v6  }
0x34e: {  	v3 =	vadd.f32 v3, v7;
	v7 =	vld [tilespmem:s29+$0x0]  }
0x34f: {  	v10 =	vld [tilespmem:s26+$0x0]  }
.Ltmp17:
0x350: {  	[tilespmem:s29+$0xFFFFFFD0] =	vst v3;
	v3 =	vadd.f32 v2, v5;
	v2 =	vld [tilespmem:s29+$0x10];
	(pc) =	sbr.rel @p0 .LBB2_36-.Ltmp17, $4  }
0x351: {  	v4 =	vld [tilespmem:s26+$0x10]  }
0x352: {  	[tilespmem:s29+$0xFFFFFFE0] =	vst v3;
	v8 =	vadd.f32 v9, v8;
	v3 =	vld [tilespmem:s29+$0x20]  }
0x353: {  	v6 =	vld [tilespmem:s26+$0x20]  }
0x354: {  	s29 =	sadd.s32 $0x80, s29;
	v5 =	vld [tilespmem:s4+$0xFFFFFFC0];
	[tilespmem:s4+$0xFFFFFFF0] =	vst v8;
	v7 =	vadd.f32 v10, v7  }
0x355: {  	_ =	sdelay $0x1  }
0x356: {  	v2 =	vadd.f32 v4, v2  }
0x357: {  	[tilespmem:s4+$0x0] =	vst v7;
	v3 =	vadd.f32 v6, v3  }
0x358: {  	[tilespmem:s4+$0x10] =	vst v2;
	v1 =	vadd.f32 v1, v5  }
0x359: {  	[tilespmem:s4+$0x20] =	vst v3  }
0x35a: {  	[tilespmem:s4+$0xFFFFFFC0] =	vst v1  }
0x35b: {  	_ =	swait.ge [sflag:s17], $0x580  }
0x35c: {  	[sflag:s17] =	ssyncset.done $0x0  }
0x35d: {  	[sflag:s17] =	ssyncadd.s32 $0xFFFFFA80  }
0x35e: {  	s26 =	simm.s32 $0x168C0;
	v2 =	vld [tilespmem:s25+$0x30]  }
0x35f: {  	v3 =	vld [tilespmem:s26+$0x30]  }
0x360: {  	v1 =	vld [tilespmem:s26+$0xFFFFFFC0]  }
0x361: {  	v4 =	vld [tilespmem:s25+$0xFFFFFFD0]  }
0x362: {  	v5 =	vld [tilespmem:s26+$0xFFFFFFD0]  }
0x363: {  	v6 =	vld [tilespmem:s25+$0xFFFFFFE0]  }
0x364: {  	v7 =	vld [tilespmem:s26+$0xFFFFFFE0]  }
0x365: {  	v8 =	vld [tilespmem:s25+$0xFFFFFFF0]  }
0x366: {  	v9 =	vld [tilespmem:s26+$0xFFFFFFF0]  }
0x367: {  	v10 =	vld [tilespmem:s25+$0x0]  }
0x368: {  	v11 =	vld [tilespmem:s26+$0x0];
	v3 =	vadd.f32 v3, v2  }
0x369: {  	v5 =	vadd.f32 v5, v4;
	v2 =	vld [tilespmem:s25+$0x10]  }
0x36a: {  	v6 =	vadd.f32 v7, v6;
	v4 =	vld [tilespmem:s26+$0x10];
	[tilespmem:s25+$0x30] =	vst v3  }
0x36b: {  	v7 =	vadd.f32 v9, v8;
	[tilespmem:s25+$0xFFFFFFD0] =	vst v5;
	v3 =	vld [tilespmem:s25+$0x20]  }
0x36c: {  	[tilespmem:s25+$0xFFFFFFE0] =	vst v6;
	v6 =	vld [tilespmem:s26+$0x20]  }
0x36d: {  	s28 =	simm.s32 $0x0;
	s29 =	sadd.s32 $0x80, s25;
	s4 =	smov.u32 s25;
	v5 =	vld [tilespmem:s25+$0xFFFFFFC0];
	[tilespmem:s25+$0xFFFFFFF0] =	vst v7;
	v7 =	vadd.f32 v11, v10  }
.LBB2_38:
0x36e: {  	v8 =	vld [tilespmem:s29+$0x30];
	s26 =	sadd.s32 $0x80, s26  }
0x36f: {  	s28 =	sadd.s32 $0x8, s28;
	v9 =	vld [tilespmem:s26+$0x30];
	[tilespmem:s4+$0x0] =	vst v7;
	v2 =	vadd.f32 v4, v2  }
0x370: {  	p0 =	slt.u32 s28, $0x50;
	v4 =	vld [tilespmem:s26+$0xFFFFFFC0]  }
0x371: {  	v7 =	vld [tilespmem:s29+$0xFFFFFFD0];
	[tilespmem:s4+$0x10] =	vst v2;
	v2 =	vadd.f32 v6, v3  }
0x372: {  	v3 =	vld [tilespmem:s26+$0xFFFFFFD0];
	v10 =	vadd.f32 v1, v5  }
0x373: {  	v5 =	vld [tilespmem:s29+$0xFFFFFFE0];
	[tilespmem:s4+$0x20] =	vst v2  }
0x374: {  	v2 =	vld [tilespmem:s26+$0xFFFFFFE0];
	v6 =	vadd.f32 v9, v8;
	[tilespmem:s4+$0xFFFFFFC0] =	vst v10;
	s4 =	smov.u32 s29  }
0x375: {  	v8 =	vld [tilespmem:s29+$0xFFFFFFF0];
	v1 =	vmov v4  }
0x376: {  	v9 =	vld [tilespmem:s26+$0xFFFFFFF0];
	[tilespmem:s29+$0x30] =	vst v6  }
0x377: {  	v3 =	vadd.f32 v3, v7;
	v7 =	vld [tilespmem:s29+$0x0]  }
0x378: {  	v10 =	vld [tilespmem:s26+$0x0]  }
.Ltmp18:
0x379: {  	[tilespmem:s29+$0xFFFFFFD0] =	vst v3;
	v3 =	vadd.f32 v2, v5;
	v2 =	vld [tilespmem:s29+$0x10];
	(pc) =	sbr.rel @p0 .LBB2_38-.Ltmp18, $4  }
0x37a: {  	v4 =	vld [tilespmem:s26+$0x10]  }
0x37b: {  	[tilespmem:s29+$0xFFFFFFE0] =	vst v3;
	v8 =	vadd.f32 v9, v8;
	v3 =	vld [tilespmem:s29+$0x20]  }
0x37c: {  	v6 =	vld [tilespmem:s26+$0x20]  }
0x37d: {  	s29 =	sadd.s32 $0x80, s29;
	v5 =	vld [tilespmem:s4+$0xFFFFFFC0];
	[tilespmem:s4+$0xFFFFFFF0] =	vst v8;
	v7 =	vadd.f32 v10, v7  }
0x37e: {  	_ =	sdelay $0x1  }
0x37f: {  	v2 =	vadd.f32 v4, v2  }
0x380: {  	[tilespmem:s4+$0x0] =	vst v7;
	v3 =	vadd.f32 v6, v3  }
0x381: {  	[tilespmem:s4+$0x10] =	vst v2;
	v1 =	vadd.f32 v1, v5  }
0x382: {  	[tilespmem:s4+$0x20] =	vst v3  }
0x383: {  	[tilespmem:s4+$0xFFFFFFC0] =	vst v1  }
0x384: {  	s1 =	rddreg [dreg:$0xd]  }
0x385: {  	s13 =	simm.s32 $0x100;
	s4 =	rddreg [dreg:$0x13]  }
0x386: {  	[hbm4b:s4+s18] =	stream.strided.scatter [tilespmem:s1], [sflag:$0x5], $0x580, s13, s18, $0x38;
	[tilespmem:$0x1C600] =	vst v63  }
0x387: {  	_ =	swait.ge [sflag:s9], $0x580  }
0x388: {  	s24 =	sadd.s32 $0x1, s24;
	s31 =	rddreg [dreg:$0x14]  }
0x389: {  	p0 =	sne.s32 s24, s31  }
.Ltmp19:
0x38a: {  	_ = 	snop;
	(pc) =	sbr.rel @p0 .LBB2_1-.Ltmp19, $3  }
0x38b: {  	_ =	sdelay $0x1  }
0x38c: {  	[sflag:s9] =	ssyncset.done $0x0  }
0x38d: {  	[sflag:s9] =	ssyncadd.s32 $0xFFFFFA80  }
0x38e: {  	_ =	sfence.sel $0x180000  }
0x38f: {  	[bflag:$0x0] =	sbarrier.arrive $0xFFFF  }
0x390: {  	_ =	strace $0x90000047  }
0x391: {  	s0 =	stileid.u32;
	[bflag:$0x2] =	sbarrier.arrive $0xFFFF  }
0x392: {  	p0 =	sne.s32 s0, $0x0;
	s0 =	rddreg [dreg:$0x5]  }
0x393: {  	s0 =	sadd.s32 @!p0 $0x100000, s0  }
0x394: {  	[sflag:s0] =	ssyncadd.tile.s32 @!p0 $0x1;
	_ =	shalt  }
.Lfunc_end2:
_tile_overlayer_lowered:
.L_overlay_start_2:
0x395: {  	(tag) =	ssettag $0x2  }
0x396: {  	s0 =	rddreg [dreg:$0x0];
	s2 =	stileid.u32  }
0x397: {  	s1 =	rddreg [dreg:$0x1];
	p0 =	sne.s32 s2, $0x0  }
0x398: {  	s3 =	rddreg [dreg:$0x2];
	[bflag:$0x3] =	sbarrier.arrive $0xFFFF;
	s2 =	simm.s32 @!p0 $0x1C05  }
0x399: {  	[timem:s3], [sflag:s2] =	dma.local @!p0 [hbm:s0], s1  }
0x39a: {  	s0 =	simm.s32 @!p0 $0x5  }
0x39b: {  	_ =	swait.ge @!p0 [sflag:s0], s1  }
0x39c: {  	s1 =	ssub.s32 @!p0 $0x0, s1;
	[sflag:s0] =	ssyncset.done @!p0 $0x0  }
0x39d: {  	[sflag:s0] =	ssyncadd.s32 @!p0 s1  }
0x39e: {  	[bflag:$0x3] =	sbarrier.arrive $0xFFFF  }
0x39f: {  	_ =	shalt  }

</sc_bundles>
